<compile_context>
chip_gen: v7x
topology: tpu7x:2x2x1
jax: 0.10.2.dev20260603
libtpu: 0.0.44.dev20260713+nightly
codegen_flags: <defaults>
</compile_context>

<pallas_src>
import functools

import jax
import jax.numpy as jnp
import numpy as np
from jax import lax
from jax.experimental import pallas as pl
from jax.experimental.pallas import tpu as pltpu
from jax.experimental.pallas import tpu_sc as plsc

ATOM = 32
BOND = 16
N_NODES = 10000
N_EDGES = 160000

NC, NS = 2, 16
NW = NC * NS
CH = 128
NCHUNK = N_EDGES // CH
ROWS_PER_SUB = N_NODES // NS

_SC_MESH = plsc.VectorSubcoreMesh(
    core_axis_name="c", subcore_axis_name="s", num_cores=NC, num_subcores=NS)
_SC_MESH1 = plsc.VectorSubcoreMesh(
    core_axis_name="c", subcore_axis_name="s", num_cores=1, num_subcores=NS)


def _worker_range(wid, nw):
    cpw, rem = NCHUNK // nw, NCHUNK % nw
    maxc = cpw + 1
    c0 = cpw * wid + jnp.minimum(wid, rem)
    nloc = cpw + jnp.where(wid < rem, 1, 0)
    sbase = jnp.minimum(c0, NCHUNK - maxc)
    return c0, nloc, c0 - sbase, sbase


MAXC = NCHUNK // NW + 1
MAXC1 = NCHUNK // NS + 1


def _build_gather(interpret=False):
    @functools.partial(
        pl.kernel,
        out_type=jax.ShapeDtypeStruct((N_EDGES, ATOM), jnp.bfloat16),
        mesh=_SC_MESH,
        scratch_types=[
            pltpu.VMEM((MAXC, CH), jnp.int32),
            pltpu.VMEM((CH, ATOM), jnp.bfloat16),
            pltpu.VMEM((CH, ATOM), jnp.bfloat16),
            pltpu.SemaphoreType.DMA,
            pltpu.SemaphoreType.DMA,
        ],
        compiler_params=pltpu.CompilerParams(use_tc_tiling_on_sc=False, needs_layout_passes=False),
        interpret=interpret,
    )
    def _gather(table_hbm, pair_hbm, out_hbm, idx_all, rows0, rows1,
                sem0, sem1):
        wid = lax.axis_index("s") * NC + lax.axis_index("c")
        c0, nloc, off, sbase = _worker_range(wid, NW)
        pltpu.sync_copy(pair_hbm.at[1, pl.ds(sbase, MAXC)], idx_all)
        rows = (rows0, rows1)
        sems = (sem0, sem1)

        def body(i, carry):
            b = i % 2
            for p in range(2):
                @pl.when(b == p)
                def _():
                    pltpu.async_copy(
                        table_hbm.at[idx_all.at[off + i]], rows[p], sems[p])

            @pl.when(i >= 1)
            def _():
                for p in range(2):
                    @pl.when((1 - b) == p)
                    def _():
                        pltpu.make_async_copy(
                            table_hbm.at[idx_all.at[off + i - 1]],
                            rows[p], sems[p]).wait()
                        pltpu.sync_copy(
                            rows[p],
                            out_hbm.at[pl.ds((c0 + i - 1) * CH, CH)])
            return carry

        lax.fori_loop(0, nloc, body, 0)
        for p in range(2):
            @pl.when(((nloc - 1) % 2) == p)
            def _():
                pltpu.make_async_copy(
                    table_hbm.at[idx_all.at[off + nloc - 1]],
                    rows[p], sems[p]).wait()
                pltpu.sync_copy(
                    rows[p], out_hbm.at[pl.ds((c0 + nloc - 1) * CH, CH)])

    return _gather


_gather = _build_gather()


TB = 6400
KZ = BOND * ATOM


def _transform_body(bond_ref, neigh_ref, q_ref, wz_ref, bt_ref, out_ref):
    bond = bond_ref[...].astype(jnp.bfloat16).T
    neigh = neigh_ref[...]
    rep = jnp.tile(bond, (1, ATOM))
    til = jnp.dot(neigh, q_ref[...],
                  preferred_element_type=jnp.float32).astype(jnp.bfloat16)
    z = rep * til
    out_ref[...] = (
        jnp.dot(z, wz_ref[...], preferred_element_type=jnp.float32)
        + jnp.dot(neigh, bt_ref[...], preferred_element_type=jnp.float32)
    ).astype(jnp.bfloat16)


def _build_transform(interpret=False):
    return pl.pallas_call(
        _transform_body,
        grid=(N_EDGES // TB,),
        in_specs=[
            pl.BlockSpec((BOND, TB), lambda i: (0, i)),
            pl.BlockSpec((TB, ATOM), lambda i: (i, 0)),
            pl.BlockSpec((ATOM, KZ), lambda i: (0, 0)),
            pl.BlockSpec((KZ, ATOM), lambda i: (0, 0)),
            pl.BlockSpec((ATOM, ATOM), lambda i: (0, 0)),
        ],
        out_specs=pl.BlockSpec((TB, ATOM), lambda i: (i, 0)),
        out_shape=jax.ShapeDtypeStruct((N_EDGES, ATOM), jnp.bfloat16),
        interpret=interpret,
    )


_transform = _build_transform()


def _build_scatter(interpret=False):
    @functools.partial(
        pl.kernel,
        out_type=jax.ShapeDtypeStruct((N_NODES, ATOM), jnp.bfloat16),
        mesh=_SC_MESH1,
        scratch_types=[
            pltpu.VMEM((MAXC1, CH), jnp.int32),
            pltpu.VMEM((CH, ATOM), jnp.bfloat16),
            pltpu.VMEM((CH, ATOM), jnp.bfloat16),
            pltpu.VMEM_SHARED((N_NODES, ATOM), jnp.bfloat16),
            pltpu.SemaphoreType.DMA,
            pltpu.SemaphoreType.DMA,
        ],
        compiler_params=pltpu.CompilerParams(use_tc_tiling_on_sc=False, needs_layout_passes=False),
        interpret=interpret,
    )
    def _scatter(vals_hbm, pair_hbm, zeros_hbm, out_hbm, idx_all,
                 val0, val1, acc_sh, sem0, sem1):
        s = lax.axis_index("s")
        wid = s
        pltpu.sync_copy(
            zeros_hbm.at[pl.ds(s * ROWS_PER_SUB, ROWS_PER_SUB)],
            acc_sh.at[pl.ds(s * ROWS_PER_SUB, ROWS_PER_SUB)],
        )
        c0, nloc, off, sbase = _worker_range(wid, NS)
        pltpu.sync_copy(pair_hbm.at[0, pl.ds(sbase, MAXC1)], idx_all)
        plsc.subcore_barrier()
        vals = (val0, val1)
        sems = (sem0, sem1)

        def body(i, carry):
            b = i % 2
            for p in range(2):
                @pl.when(b == p)
                def _():
                    pltpu.async_copy(
                        vals_hbm.at[pl.ds((c0 + i) * CH, CH)],
                        vals[p], sems[p])

            @pl.when(i >= 1)
            def _():
                for p in range(2):
                    @pl.when((1 - b) == p)
                    def _():
                        pltpu.make_async_copy(
                            vals_hbm.at[pl.ds((c0 + i - 1) * CH, CH)],
                            vals[p], sems[p]).wait()
                        pltpu.sync_copy(
                            vals[p], acc_sh.at[idx_all.at[off + i - 1]],
                            add=True)
            return carry

        lax.fori_loop(0, nloc, body, 0)
        for p in range(2):
            @pl.when(((nloc - 1) % 2) == p)
            def _():
                pltpu.make_async_copy(
                    vals_hbm.at[pl.ds((c0 + nloc - 1) * CH, CH)],
                    vals[p], sems[p]).wait()
                pltpu.sync_copy(
                    vals[p], acc_sh.at[idx_all.at[off + nloc - 1]], add=True)
        plsc.subcore_barrier()
        pltpu.sync_copy(
            acc_sh.at[pl.ds(s * ROWS_PER_SUB, ROWS_PER_SUB)],
            out_hbm.at[pl.ds(s * ROWS_PER_SUB, ROWS_PER_SUB)],
        )

    return _scatter


_scatter = _build_scatter()


def kernel(atom_features, bond_features, pair_indices, kernel, bias):
    pair3 = pair_indices.astype(jnp.int32).T.reshape(2, NCHUNK, CH)

    qmat = jnp.asarray(np.kron(np.eye(ATOM, dtype=np.float32),
                               np.ones((1, BOND), dtype=np.float32)),
                       dtype=jnp.bfloat16)
    wz = kernel.reshape(BOND, ATOM, ATOM).transpose(2, 0, 1).reshape(
        KZ, ATOM).astype(jnp.bfloat16)
    bt = bias.reshape(ATOM, ATOM).T.astype(jnp.bfloat16)

    neigh = _gather(atom_features.astype(jnp.bfloat16), pair3)
    transformed = _transform(bond_features.T, neigh, qmat, wz, bt)
    out = _scatter(transformed, pair3,
                   jnp.zeros((N_NODES, ATOM), jnp.bfloat16))
    return out.astype(jnp.float32)

# --- scband reference (transcript-rebuilt; emitter-appended) ---
"""Pipeline reference for scband-edge-network-77257871720572 (READ-ONLY COPY).

The authoritative reference and input builder live on the scoring server;
editing this copy changes nothing except your own understanding.
"""

import jax, jax.numpy as jnp
import numpy as np

ATOM_DIM = 32
BOND_DIM = 16
N_NODES = 10000
N_EDGES = 160000


def setup_inputs(seed: int = 0) -> dict:
    key = jax.random.key(seed)
    k1, k2, k3, k4 = jax.random.split(key, 4)
    atom_features = jax.random.normal(k1, (N_NODES, ATOM_DIM), dtype=jnp.float32)
    bond_features = jax.random.normal(k2, (N_EDGES, BOND_DIM), dtype=jnp.float32)
    pair_indices = jax.random.randint(k3, (N_EDGES, 2), 0, N_NODES, dtype=jnp.int64 if jax.config.jax_enable_x64 else jnp.int32)
    # glorot_uniform init for kernel (bond_dim, atom_dim*atom_dim)
    fan_in, fan_out = BOND_DIM, ATOM_DIM * ATOM_DIM
    limit = float(np.sqrt(6.0 / (fan_in + fan_out)))
    kernel = jax.random.uniform(k4, (BOND_DIM, ATOM_DIM * ATOM_DIM), minval=-limit, maxval=limit, dtype=jnp.float32)
    bias = jnp.zeros((ATOM_DIM * ATOM_DIM,), dtype=jnp.float32)
    return {
        "atom_features": atom_features,
        "bond_features": bond_features,
        "pair_indices": pair_indices,
        "kernel": kernel,
        "bias": bias,
    }


def reference(atom_features, bond_features, pair_indices, kernel, bias):
    # bond_features -> per-edge (atom_dim x atom_dim) transform matrix
    bf = jnp.matmul(bond_features, kernel) + bias              # [E, atom_dim*atom_dim]
    bf = jnp.reshape(bf, (-1, ATOM_DIM, ATOM_DIM))             # [E, atom_dim, atom_dim]
    # gather neighbor (source-of-message) features by dst column (pair_indices[:, 1])
    neigh = jnp.take(atom_features, pair_indices[:, 1], axis=0)  # [E, atom_dim]
    neigh = neigh[:, :, None]                                    # [E, atom_dim, 1]
    transformed = jnp.matmul(bf, neigh)                          # [E, atom_dim, 1]
    transformed = jnp.squeeze(transformed, axis=-1)              # [E, atom_dim]
    # scatter-add messages to receiving atoms (pair_indices[:, 0])
    aggregated = jax.ops.segment_sum(transformed, pair_indices[:, 0], num_segments=atom_features.shape[0])
    return aggregated

if __name__ == "__main__":
    import jax
    _d = setup_inputs()
    print(jax.jit(kernel)(*tuple(_d.values())))

</pallas_src>

<mosaic_0001>
#map = affine_map<(d0, d1) -> (0, 0)>
#map1 = affine_map<(d0, d1) -> (0, 0, 0)>
module attributes {stable_mosaic.version = 14 : i64} {
  func.func @_gather(%arg0: i32, %arg1: i32, %arg2: memref<10000x32xbf16, #tpu.memory_space<hbm>>, %arg3: memref<2x1250x128xi32, #tpu.memory_space<hbm>>, %arg4: memref<160000x32xbf16, #tpu.memory_space<hbm>>, %arg5: memref<40x128xi32, #tpu.memory_space<vmem>>, %arg6: memref<128x32xbf16, #tpu.memory_space<vmem>>, %arg7: memref<128x32xbf16, #tpu.memory_space<vmem>>, %arg8: memref<!tpu.dma_semaphore, #tpu.memory_space<semaphore_mem>>, %arg9: memref<!tpu.dma_semaphore, #tpu.memory_space<semaphore_mem>>) attributes {dimension_semantics = [#tpu.dimension_semantics<core_parallel>, #tpu.dimension_semantics<subcore_parallel>], iteration_bounds = array<i64: 2, 16>, scalar_prefetch = 0 : i64, scratch_operands = 5 : i64, tpu.core_type = #tpu.core_type<sc_vector_subcore>, window_params = [{transform_indices = #map}, {transform_indices = #map1}, {transform_indices = #map}]} {
    %mul3A = arith.constant 2 : i32
    %mul3A_0 = arith.muli %arg1, %mul3A : i32
    %add3A = arith.addi %mul3A_0, %arg0 : i32
    %mul3A_1 = arith.constant 39 : i32
    %mul3A_2 = arith.muli %mul3A_1, %add3A : i32
    %min3A = arith.constant 2 : i32
    %min3A_3 = arith.minsi %add3A, %min3A : i32
    %add3A_4 = arith.addi %mul3A_2, %min3A_3 : i32
    %lt3A = arith.constant 2 : i32
    %lt3A_5 = arith.cmpi slt, %add3A, %lt3A : i32
    %jit3A = arith.constant 1 : i32
    %jit3A_6 = arith.constant 0 : i32
    %select_n3A = arith.select %lt3A_5, %jit3A, %jit3A_6 : i32
    %add3A_7 = arith.constant 39 : i32
    %add3A_8 = arith.addi %add3A_7, %select_n3A : i32
    %min3A_9 = arith.constant 1210 : i32
    %min3A_10 = arith.minsi %add3A_4, %min3A_9 : i32
    %sub3A = arith.subi %add3A_4, %min3A_10 : i32
    %run_scoped3A = arith.constant 1 : i32
    "tpu.region"() ({
      %run_scoped3A_60 = tpu.sem_alloc : memref<!tpu.dma_semaphore, #tpu.memory_space<semaphore_mem>>
      %dma_start3A = arith.constant 0 : i32
      %dma_start3A_61 = tpu.memref_slice %arg3[%run_scoped3A, %min3A_10, %dma_start3A] : memref<2x1250x128xi32, #tpu.memory_space<hbm>> -> memref<1x40x128xi32, #tpu.memory_space<hbm>>
      %dma_start3A_62 = tpu.memref_squeeze %dma_start3A_61 : memref<1x40x128xi32, #tpu.memory_space<hbm>> -> memref<40x128xi32, #tpu.memory_space<hbm>>
      %dma_start3A_63 = arith.constant 0 : i32
      %dma_start3A_64 = tpu.memref_slice %arg3[%run_scoped3A, %min3A_10, %dma_start3A_63] : memref<2x1250x128xi32, #tpu.memory_space<hbm>> -> memref<1x40x128xi32, #tpu.memory_space<hbm>>
      %dma_start3A_65 = tpu.memref_squeeze %dma_start3A_64 : memref<1x40x128xi32, #tpu.memory_space<hbm>> -> memref<40x128xi32, #tpu.memory_space<hbm>>
      tpu.enqueue_dma source(%dma_start3A_65 : memref<40x128xi32, #tpu.memory_space<hbm>>) target(%arg5 : memref<40x128xi32, #tpu.memory_space<vmem>>) target_semaphore(%run_scoped3A_60 : memref<!tpu.dma_semaphore, #tpu.memory_space<semaphore_mem>>)
      %dma_wait3A = arith.constant 0 : i32
      %dma_wait3A_66 = tpu.memref_slice %arg3[%run_scoped3A, %min3A_10, %dma_wait3A] : memref<2x1250x128xi32, #tpu.memory_space<hbm>> -> memref<1x40x128xi32, #tpu.memory_space<hbm>>
      %dma_wait3A_67 = tpu.memref_squeeze %dma_wait3A_66 : memref<1x40x128xi32, #tpu.memory_space<hbm>> -> memref<40x128xi32, #tpu.memory_space<hbm>>
      %dma_wait3A_68 = arith.constant 0 : i32
      %dma_wait3A_69 = tpu.memref_slice %arg3[%run_scoped3A, %min3A_10, %dma_wait3A_68] : memref<2x1250x128xi32, #tpu.memory_space<hbm>> -> memref<1x40x128xi32, #tpu.memory_space<hbm>>
      %dma_wait3A_70 = tpu.memref_squeeze %dma_wait3A_69 : memref<1x40x128xi32, #tpu.memory_space<hbm>> -> memref<40x128xi32, #tpu.memory_space<hbm>>
      tpu.wait_dma2 semaphore(%run_scoped3A_60 : memref<!tpu.dma_semaphore, #tpu.memory_space<semaphore_mem>>) src(%dma_wait3A_70 : memref<40x128xi32, #tpu.memory_space<hbm>>) dst(%arg5 : memref<40x128xi32, #tpu.memory_space<vmem>>)
      tpu.yield
    }) : () -> ()
    %while3A = arith.constant 0 : i32
    %while3A_11 = arith.constant 0 : i32
    %while3A_12 = arith.subi %add3A_8, %while3A_11 : i32
    %while3A_13 = arith.addi %while3A_11, %while3A_12 : i32
    %while3A_14 = arith.constant 1 : i32
    %while3A_15 = arith.divsi %while3A_12, %while3A_14 : i32
    %while3A_16 = arith.muli %while3A_15, %while3A_14 : i32
    %while3A_17 = arith.addi %while3A_11, %while3A_16 : i32
    %while3A_18 = arith.constant 1 : i32
    scf.for %while3A_60 = %while3A_11 to %while3A_17 step %while3A_18  : i32 {
      %jit3A_61 = arith.constant 2 : i32
      %eq3A_62 = arith.constant 0 : i32
      %eq3A_63 = arith.cmpi eq, %jit3A_61, %eq3A_62 : i32
      %jit3A_64 = arith.constant 1 : i32
      %select_n3A_65 = arith.select %eq3A_63, %jit3A_64, %jit3A_61 : i32
      %rem3A_66 = arith.remsi %while3A_60, %select_n3A_65 : i32
      %ne3A_67 = arith.constant 0 : i32
      %ne3A_68 = arith.cmpi ne, %rem3A_66, %ne3A_67 : i32
      %lt3A_69 = arith.constant 0 : i32
      %lt3A_70 = arith.cmpi slt, %rem3A_66, %lt3A_69 : i32
      %lt3A_71 = arith.constant 0 : i32
      %lt3A_72 = arith.cmpi slt, %select_n3A_65, %lt3A_71 : i32
      %ne3A_73 = arith.xori %lt3A_70, %lt3A_72 : i1
      %and3A_74 = arith.andi %ne3A_73, %ne3A_68 : i1
      %add3A_75 = arith.addi %rem3A_66, %select_n3A_65 : i32
      %select_n3A_76 = arith.select %and3A_74, %add3A_75, %rem3A_66 : i32
      %eq3A_77 = arith.constant 0 : i32
      %eq3A_78 = arith.cmpi eq, %select_n3A_76, %eq3A_77 : i32
      %convert_element_type3A_79 = arith.extui %eq3A_78 : i1 to i32
      %cond3A_80 = arith.constant 0 : i32
      %cond3A_81 = arith.cmpi ne, %convert_element_type3A_79, %cond3A_80 : i32
      scf.if %cond3A_81 {
        %add3A_91 = arith.addi %sub3A, %while3A_60 : i32
        %dma_start3A = arith.constant 0 : i32
        %dma_start3A_92 = tpu.memref_slice %arg5[%add3A_91, %dma_start3A] : memref<40x128xi32, #tpu.memory_space<vmem>> -> memref<1x128xi32, #tpu.memory_space<vmem>>
        %dma_start3A_93 = tpu.memref_squeeze %dma_start3A_92 : memref<1x128xi32, #tpu.memory_space<vmem>> -> memref<128xi32, #tpu.memory_space<vmem>>
        %dma_start3A_94 = arith.constant 0 : i32
        %dma_start3A_95 = arith.constant 0 : i32
        %dma_start3A_96 = tpu.memref_slice %arg2[%dma_start3A_94, %dma_start3A_95] : memref<10000x32xbf16, #tpu.memory_space<hbm>> -> memref<10000x32xbf16, #tpu.memory_space<hbm>>
        tpu.enqueue_indirect_dma source(%dma_start3A_96 : memref<10000x32xbf16, #tpu.memory_space<hbm>>) target(%arg6 : memref<128x32xbf16, #tpu.memory_space<vmem>>) offsets(%dma_start3A_93 : memref<128xi32, #tpu.memory_space<vmem>>) semaphore(%arg8 : memref<!tpu.dma_semaphore, #tpu.memory_space<semaphore_mem>>)
      } else {
      }
      %eq3A_82 = arith.constant 1 : i32
      %eq3A_83 = arith.cmpi eq, %select_n3A_76, %eq3A_82 : i32
      %convert_element_type3A_84 = arith.extui %eq3A_83 : i1 to i32
      %cond3A_85 = arith.constant 0 : i32
      %cond3A_86 = arith.cmpi ne, %convert_element_type3A_84, %cond3A_85 : i32
      scf.if %cond3A_86 {
        %add3A_91 = arith.addi %sub3A, %while3A_60 : i32
        %dma_start3A = arith.constant 0 : i32
        %dma_start3A_92 = tpu.memref_slice %arg5[%add3A_91, %dma_start3A] : memref<40x128xi32, #tpu.memory_space<vmem>> -> memref<1x128xi32, #tpu.memory_space<vmem>>
        %dma_start3A_93 = tpu.memref_squeeze %dma_start3A_92 : memref<1x128xi32, #tpu.memory_space<vmem>> -> memref<128xi32, #tpu.memory_space<vmem>>
        %dma_start3A_94 = arith.constant 0 : i32
        %dma_start3A_95 = arith.constant 0 : i32
        %dma_start3A_96 = tpu.memref_slice %arg2[%dma_start3A_94, %dma_start3A_95] : memref<10000x32xbf16, #tpu.memory_space<hbm>> -> memref<10000x32xbf16, #tpu.memory_space<hbm>>
        tpu.enqueue_indirect_dma source(%dma_start3A_96 : memref<10000x32xbf16, #tpu.memory_space<hbm>>) target(%arg7 : memref<128x32xbf16, #tpu.memory_space<vmem>>) offsets(%dma_start3A_93 : memref<128xi32, #tpu.memory_space<vmem>>) semaphore(%arg9 : memref<!tpu.dma_semaphore, #tpu.memory_space<semaphore_mem>>)
      } else {
      }
      %ge3A = arith.constant 1 : i32
      %ge3A_87 = arith.cmpi sge, %while3A_60, %ge3A : i32
      %convert_element_type3A_88 = arith.extui %ge3A_87 : i1 to i32
      %cond3A_89 = arith.constant 0 : i32
      %cond3A_90 = arith.cmpi ne, %convert_element_type3A_88, %cond3A_89 : i32
      scf.if %cond3A_90 {
        %sub3A_91 = arith.constant 1 : i32
        %sub3A_92 = arith.subi %sub3A_91, %select_n3A_76 : i32
        %eq3A_93 = arith.constant 0 : i32
        %eq3A_94 = arith.cmpi eq, %sub3A_92, %eq3A_93 : i32
        %convert_element_type3A_95 = arith.extui %eq3A_94 : i1 to i32
        %cond3A_96 = arith.constant 0 : i32
        %cond3A_97 = arith.cmpi ne, %convert_element_type3A_95, %cond3A_96 : i32
        scf.if %cond3A_97 {
          %add3A_105 = arith.addi %sub3A, %while3A_60 : i32
          %sub3A_106 = arith.constant 1 : i32
          %sub3A_107 = arith.subi %add3A_105, %sub3A_106 : i32
          %dma_wait3A = arith.constant 0 : i32
          %dma_wait3A_108 = tpu.memref_slice %arg5[%sub3A_107, %dma_wait3A] : memref<40x128xi32, #tpu.memory_space<vmem>> -> memref<1x128xi32, #tpu.memory_space<vmem>>
          %dma_wait3A_109 = tpu.memref_squeeze %dma_wait3A_108 : memref<1x128xi32, #tpu.memory_space<vmem>> -> memref<128xi32, #tpu.memory_space<vmem>>
          %dma_wait3A_110 = arith.constant 0 : i32
          %dma_wait3A_111 = arith.constant 0 : i32
          %dma_wait3A_112 = tpu.memref_slice %arg2[%dma_wait3A_110, %dma_wait3A_111] : memref<10000x32xbf16, #tpu.memory_space<hbm>> -> memref<10000x32xbf16, #tpu.memory_space<hbm>>
          tpu.wait_indirect_dma semaphore(%arg8 : memref<!tpu.dma_semaphore, #tpu.memory_space<semaphore_mem>>) src(%dma_wait3A_112 : memref<10000x32xbf16, #tpu.memory_space<hbm>>) dst(%arg6 : memref<128x32xbf16, #tpu.memory_space<vmem>>)
          %add3A_113 = arith.addi %add3A_4, %while3A_60 : i32
          %sub3A_114 = arith.constant 1 : i32
          %sub3A_115 = arith.subi %add3A_113, %sub3A_114 : i32
          %mul3A_116 = arith.constant 128 : i32
          %mul3A_117 = arith.muli %sub3A_115, %mul3A_116 : i32
          "tpu.region"() ({
            %run_scoped3A_118 = tpu.sem_alloc : memref<!tpu.dma_semaphore, #tpu.memory_space<semaphore_mem>>
            %dma_start3A = arith.constant 0 : i32
            %dma_start3A_119 = tpu.memref_slice %arg4[%mul3A_117, %dma_start3A] : memref<160000x32xbf16, #tpu.memory_space<hbm>> -> memref<128x32xbf16, #tpu.memory_space<hbm>>
            %dma_start3A_120 = arith.constant 0 : i32
            %dma_start3A_121 = tpu.memref_slice %arg4[%mul3A_117, %dma_start3A_120] : memref<160000x32xbf16, #tpu.memory_space<hbm>> -> memref<128x32xbf16, #tpu.memory_space<hbm>>
            tpu.enqueue_dma source(%arg6 : memref<128x32xbf16, #tpu.memory_space<vmem>>) target(%dma_start3A_121 : memref<128x32xbf16, #tpu.memory_space<hbm>>) target_semaphore(%run_scoped3A_118 : memref<!tpu.dma_semaphore, #tpu.memory_space<semaphore_mem>>)
            %dma_wait3A_122 = arith.constant 0 : i32
            %dma_wait3A_123 = tpu.memref_slice %arg4[%mul3A_117, %dma_wait3A_122] : memref<160000x32xbf16, #tpu.memory_space<hbm>> -> memref<128x32xbf16, #tpu.memory_space<hbm>>
            %dma_wait3A_124 = arith.constant 0 : i32
            %dma_wait3A_125 = tpu.memref_slice %arg4[%mul3A_117, %dma_wait3A_124] : memref<160000x32xbf16, #tpu.memory_space<hbm>> -> memref<128x32xbf16, #tpu.memory_space<hbm>>
            tpu.wait_dma2 semaphore(%run_scoped3A_118 : memref<!tpu.dma_semaphore, #tpu.memory_space<semaphore_mem>>) src(%arg6 : memref<128x32xbf16, #tpu.memory_space<vmem>>) dst(%dma_wait3A_125 : memref<128x32xbf16, #tpu.memory_space<hbm>>)
            tpu.yield
          }) : () -> ()
        } else {
        }
        %sub3A_98 = arith.constant 1 : i32
        %sub3A_99 = arith.subi %sub3A_98, %select_n3A_76 : i32
        %eq3A_100 = arith.constant 1 : i32
        %eq3A_101 = arith.cmpi eq, %sub3A_99, %eq3A_100 : i32
        %convert_element_type3A_102 = arith.extui %eq3A_101 : i1 to i32
        %cond3A_103 = arith.constant 0 : i32
        %cond3A_104 = arith.cmpi ne, %convert_element_type3A_102, %cond3A_103 : i32
        scf.if %cond3A_104 {
          %add3A_105 = arith.addi %sub3A, %while3A_60 : i32
          %sub3A_106 = arith.constant 1 : i32
          %sub3A_107 = arith.subi %add3A_105, %sub3A_106 : i32
          %dma_wait3A = arith.constant 0 : i32
          %dma_wait3A_108 = tpu.memref_slice %arg5[%sub3A_107, %dma_wait3A] : memref<40x128xi32, #tpu.memory_space<vmem>> -> memref<1x128xi32, #tpu.memory_space<vmem>>
          %dma_wait3A_109 = tpu.memref_squeeze %dma_wait3A_108 : memref<1x128xi32, #tpu.memory_space<vmem>> -> memref<128xi32, #tpu.memory_space<vmem>>
          %dma_wait3A_110 = arith.constant 0 : i32
          %dma_wait3A_111 = arith.constant 0 : i32
          %dma_wait3A_112 = tpu.memref_slice %arg2[%dma_wait3A_110, %dma_wait3A_111] : memref<10000x32xbf16, #tpu.memory_space<hbm>> -> memref<10000x32xbf16, #tpu.memory_space<hbm>>
          tpu.wait_indirect_dma semaphore(%arg9 : memref<!tpu.dma_semaphore, #tpu.memory_space<semaphore_mem>>) src(%dma_wait3A_112 : memref<10000x32xbf16, #tpu.memory_space<hbm>>) dst(%arg7 : memref<128x32xbf16, #tpu.memory_space<vmem>>)
          %add3A_113 = arith.addi %add3A_4, %while3A_60 : i32
          %sub3A_114 = arith.constant 1 : i32
          %sub3A_115 = arith.subi %add3A_113, %sub3A_114 : i32
          %mul3A_116 = arith.constant 128 : i32
          %mul3A_117 = arith.muli %sub3A_115, %mul3A_116 : i32
          "tpu.region"() ({
            %run_scoped3A_118 = tpu.sem_alloc : memref<!tpu.dma_semaphore, #tpu.memory_space<semaphore_mem>>
            %dma_start3A = arith.constant 0 : i32
            %dma_start3A_119 = tpu.memref_slice %arg4[%mul3A_117, %dma_start3A] : memref<160000x32xbf16, #tpu.memory_space<hbm>> -> memref<128x32xbf16, #tpu.memory_space<hbm>>
            %dma_start3A_120 = arith.constant 0 : i32
            %dma_start3A_121 = tpu.memref_slice %arg4[%mul3A_117, %dma_start3A_120] : memref<160000x32xbf16, #tpu.memory_space<hbm>> -> memref<128x32xbf16, #tpu.memory_space<hbm>>
            tpu.enqueue_dma source(%arg7 : memref<128x32xbf16, #tpu.memory_space<vmem>>) target(%dma_start3A_121 : memref<128x32xbf16, #tpu.memory_space<hbm>>) target_semaphore(%run_scoped3A_118 : memref<!tpu.dma_semaphore, #tpu.memory_space<semaphore_mem>>)
            %dma_wait3A_122 = arith.constant 0 : i32
            %dma_wait3A_123 = tpu.memref_slice %arg4[%mul3A_117, %dma_wait3A_122] : memref<160000x32xbf16, #tpu.memory_space<hbm>> -> memref<128x32xbf16, #tpu.memory_space<hbm>>
            %dma_wait3A_124 = arith.constant 0 : i32
            %dma_wait3A_125 = tpu.memref_slice %arg4[%mul3A_117, %dma_wait3A_124] : memref<160000x32xbf16, #tpu.memory_space<hbm>> -> memref<128x32xbf16, #tpu.memory_space<hbm>>
            tpu.wait_dma2 semaphore(%run_scoped3A_118 : memref<!tpu.dma_semaphore, #tpu.memory_space<semaphore_mem>>) src(%arg7 : memref<128x32xbf16, #tpu.memory_space<vmem>>) dst(%dma_wait3A_125 : memref<128x32xbf16, #tpu.memory_space<hbm>>)
            tpu.yield
          }) : () -> ()
        } else {
        }
      } else {
      }
    }
    %while3A_19 = arith.constant 1 : i32
    scf.for %while3A_60 = %while3A_17 to %while3A_13 step %while3A_19  : i32 {
      %jit3A_61 = arith.constant 2 : i32
      %eq3A_62 = arith.constant 0 : i32
      %eq3A_63 = arith.cmpi eq, %jit3A_61, %eq3A_62 : i32
      %jit3A_64 = arith.constant 1 : i32
      %select_n3A_65 = arith.select %eq3A_63, %jit3A_64, %jit3A_61 : i32
      %rem3A_66 = arith.remsi %while3A_60, %select_n3A_65 : i32
      %ne3A_67 = arith.constant 0 : i32
      %ne3A_68 = arith.cmpi ne, %rem3A_66, %ne3A_67 : i32
      %lt3A_69 = arith.constant 0 : i32
      %lt3A_70 = arith.cmpi slt, %rem3A_66, %lt3A_69 : i32
      %lt3A_71 = arith.constant 0 : i32
      %lt3A_72 = arith.cmpi slt, %select_n3A_65, %lt3A_71 : i32
      %ne3A_73 = arith.xori %lt3A_70, %lt3A_72 : i1
      %and3A_74 = arith.andi %ne3A_73, %ne3A_68 : i1
      %add3A_75 = arith.addi %rem3A_66, %select_n3A_65 : i32
      %select_n3A_76 = arith.select %and3A_74, %add3A_75, %rem3A_66 : i32
      %eq3A_77 = arith.constant 0 : i32
      %eq3A_78 = arith.cmpi eq, %select_n3A_76, %eq3A_77 : i32
      %convert_element_type3A_79 = arith.extui %eq3A_78 : i1 to i32
      %cond3A_80 = arith.constant 0 : i32
      %cond3A_81 = arith.cmpi ne, %convert_element_type3A_79, %cond3A_80 : i32
      scf.if %cond3A_81 {
        %add3A_91 = arith.addi %sub3A, %while3A_60 : i32
        %dma_start3A = arith.constant 0 : i32
        %dma_start3A_92 = tpu.memref_slice %arg5[%add3A_91, %dma_start3A] : memref<40x128xi32, #tpu.memory_space<vmem>> -> memref<1x128xi32, #tpu.memory_space<vmem>>
        %dma_start3A_93 = tpu.memref_squeeze %dma_start3A_92 : memref<1x128xi32, #tpu.memory_space<vmem>> -> memref<128xi32, #tpu.memory_space<vmem>>
        %dma_start3A_94 = arith.constant 0 : i32
        %dma_start3A_95 = arith.constant 0 : i32
        %dma_start3A_96 = tpu.memref_slice %arg2[%dma_start3A_94, %dma_start3A_95] : memref<10000x32xbf16, #tpu.memory_space<hbm>> -> memref<10000x32xbf16, #tpu.memory_space<hbm>>
        tpu.enqueue_indirect_dma source(%dma_start3A_96 : memref<10000x32xbf16, #tpu.memory_space<hbm>>) target(%arg6 : memref<128x32xbf16, #tpu.memory_space<vmem>>) offsets(%dma_start3A_93 : memref<128xi32, #tpu.memory_space<vmem>>) semaphore(%arg8 : memref<!tpu.dma_semaphore, #tpu.memory_space<semaphore_mem>>)
      } else {
      }
      %eq3A_82 = arith.constant 1 : i32
      %eq3A_83 = arith.cmpi eq, %select_n3A_76, %eq3A_82 : i32
      %convert_element_type3A_84 = arith.extui %eq3A_83 : i1 to i32
      %cond3A_85 = arith.constant 0 : i32
      %cond3A_86 = arith.cmpi ne, %convert_element_type3A_84, %cond3A_85 : i32
      scf.if %cond3A_86 {
        %add3A_91 = arith.addi %sub3A, %while3A_60 : i32
        %dma_start3A = arith.constant 0 : i32
        %dma_start3A_92 = tpu.memref_slice %arg5[%add3A_91, %dma_start3A] : memref<40x128xi32, #tpu.memory_space<vmem>> -> memref<1x128xi32, #tpu.memory_space<vmem>>
        %dma_start3A_93 = tpu.memref_squeeze %dma_start3A_92 : memref<1x128xi32, #tpu.memory_space<vmem>> -> memref<128xi32, #tpu.memory_space<vmem>>
        %dma_start3A_94 = arith.constant 0 : i32
        %dma_start3A_95 = arith.constant 0 : i32
        %dma_start3A_96 = tpu.memref_slice %arg2[%dma_start3A_94, %dma_start3A_95] : memref<10000x32xbf16, #tpu.memory_space<hbm>> -> memref<10000x32xbf16, #tpu.memory_space<hbm>>
        tpu.enqueue_indirect_dma source(%dma_start3A_96 : memref<10000x32xbf16, #tpu.memory_space<hbm>>) target(%arg7 : memref<128x32xbf16, #tpu.memory_space<vmem>>) offsets(%dma_start3A_93 : memref<128xi32, #tpu.memory_space<vmem>>) semaphore(%arg9 : memref<!tpu.dma_semaphore, #tpu.memory_space<semaphore_mem>>)
      } else {
      }
      %ge3A = arith.constant 1 : i32
      %ge3A_87 = arith.cmpi sge, %while3A_60, %ge3A : i32
      %convert_element_type3A_88 = arith.extui %ge3A_87 : i1 to i32
      %cond3A_89 = arith.constant 0 : i32
      %cond3A_90 = arith.cmpi ne, %convert_element_type3A_88, %cond3A_89 : i32
      scf.if %cond3A_90 {
        %sub3A_91 = arith.constant 1 : i32
        %sub3A_92 = arith.subi %sub3A_91, %select_n3A_76 : i32
        %eq3A_93 = arith.constant 0 : i32
        %eq3A_94 = arith.cmpi eq, %sub3A_92, %eq3A_93 : i32
        %convert_element_type3A_95 = arith.extui %eq3A_94 : i1 to i32
        %cond3A_96 = arith.constant 0 : i32
        %cond3A_97 = arith.cmpi ne, %convert_element_type3A_95, %cond3A_96 : i32
        scf.if %cond3A_97 {
          %add3A_105 = arith.addi %sub3A, %while3A_60 : i32
          %sub3A_106 = arith.constant 1 : i32
          %sub3A_107 = arith.subi %add3A_105, %sub3A_106 : i32
          %dma_wait3A = arith.constant 0 : i32
          %dma_wait3A_108 = tpu.memref_slice %arg5[%sub3A_107, %dma_wait3A] : memref<40x128xi32, #tpu.memory_space<vmem>> -> memref<1x128xi32, #tpu.memory_space<vmem>>
          %dma_wait3A_109 = tpu.memref_squeeze %dma_wait3A_108 : memref<1x128xi32, #tpu.memory_space<vmem>> -> memref<128xi32, #tpu.memory_space<vmem>>
          %dma_wait3A_110 = arith.constant 0 : i32
          %dma_wait3A_111 = arith.constant 0 : i32
          %dma_wait3A_112 = tpu.memref_slice %arg2[%dma_wait3A_110, %dma_wait3A_111] : memref<10000x32xbf16, #tpu.memory_space<hbm>> -> memref<10000x32xbf16, #tpu.memory_space<hbm>>
          tpu.wait_indirect_dma semaphore(%arg8 : memref<!tpu.dma_semaphore, #tpu.memory_space<semaphore_mem>>) src(%dma_wait3A_112 : memref<10000x32xbf16, #tpu.memory_space<hbm>>) dst(%arg6 : memref<128x32xbf16, #tpu.memory_space<vmem>>)
          %add3A_113 = arith.addi %add3A_4, %while3A_60 : i32
          %sub3A_114 = arith.constant 1 : i32
          %sub3A_115 = arith.subi %add3A_113, %sub3A_114 : i32
          %mul3A_116 = arith.constant 128 : i32
          %mul3A_117 = arith.muli %sub3A_115, %mul3A_116 : i32
          "tpu.region"() ({
            %run_scoped3A_118 = tpu.sem_alloc : memref<!tpu.dma_semaphore, #tpu.memory_space<semaphore_mem>>
            %dma_start3A = arith.constant 0 : i32
            %dma_start3A_119 = tpu.memref_slice %arg4[%mul3A_117, %dma_start3A] : memref<160000x32xbf16, #tpu.memory_space<hbm>> -> memref<128x32xbf16, #tpu.memory_space<hbm>>
            %dma_start3A_120 = arith.constant 0 : i32
            %dma_start3A_121 = tpu.memref_slice %arg4[%mul3A_117, %dma_start3A_120] : memref<160000x32xbf16, #tpu.memory_space<hbm>> -> memref<128x32xbf16, #tpu.memory_space<hbm>>
            tpu.enqueue_dma source(%arg6 : memref<128x32xbf16, #tpu.memory_space<vmem>>) target(%dma_start3A_121 : memref<128x32xbf16, #tpu.memory_space<hbm>>) target_semaphore(%run_scoped3A_118 : memref<!tpu.dma_semaphore, #tpu.memory_space<semaphore_mem>>)
            %dma_wait3A_122 = arith.constant 0 : i32
            %dma_wait3A_123 = tpu.memref_slice %arg4[%mul3A_117, %dma_wait3A_122] : memref<160000x32xbf16, #tpu.memory_space<hbm>> -> memref<128x32xbf16, #tpu.memory_space<hbm>>
            %dma_wait3A_124 = arith.constant 0 : i32
            %dma_wait3A_125 = tpu.memref_slice %arg4[%mul3A_117, %dma_wait3A_124] : memref<160000x32xbf16, #tpu.memory_space<hbm>> -> memref<128x32xbf16, #tpu.memory_space<hbm>>
            tpu.wait_dma2 semaphore(%run_scoped3A_118 : memref<!tpu.dma_semaphore, #tpu.memory_space<semaphore_mem>>) src(%arg6 : memref<128x32xbf16, #tpu.memory_space<vmem>>) dst(%dma_wait3A_125 : memref<128x32xbf16, #tpu.memory_space<hbm>>)
            tpu.yield
          }) : () -> ()
        } else {
        }
        %sub3A_98 = arith.constant 1 : i32
        %sub3A_99 = arith.subi %sub3A_98, %select_n3A_76 : i32
        %eq3A_100 = arith.constant 1 : i32
        %eq3A_101 = arith.cmpi eq, %sub3A_99, %eq3A_100 : i32
        %convert_element_type3A_102 = arith.extui %eq3A_101 : i1 to i32
        %cond3A_103 = arith.constant 0 : i32
        %cond3A_104 = arith.cmpi ne, %convert_element_type3A_102, %cond3A_103 : i32
        scf.if %cond3A_104 {
          %add3A_105 = arith.addi %sub3A, %while3A_60 : i32
          %sub3A_106 = arith.constant 1 : i32
          %sub3A_107 = arith.subi %add3A_105, %sub3A_106 : i32
          %dma_wait3A = arith.constant 0 : i32
          %dma_wait3A_108 = tpu.memref_slice %arg5[%sub3A_107, %dma_wait3A] : memref<40x128xi32, #tpu.memory_space<vmem>> -> memref<1x128xi32, #tpu.memory_space<vmem>>
          %dma_wait3A_109 = tpu.memref_squeeze %dma_wait3A_108 : memref<1x128xi32, #tpu.memory_space<vmem>> -> memref<128xi32, #tpu.memory_space<vmem>>
          %dma_wait3A_110 = arith.constant 0 : i32
          %dma_wait3A_111 = arith.constant 0 : i32
          %dma_wait3A_112 = tpu.memref_slice %arg2[%dma_wait3A_110, %dma_wait3A_111] : memref<10000x32xbf16, #tpu.memory_space<hbm>> -> memref<10000x32xbf16, #tpu.memory_space<hbm>>
          tpu.wait_indirect_dma semaphore(%arg9 : memref<!tpu.dma_semaphore, #tpu.memory_space<semaphore_mem>>) src(%dma_wait3A_112 : memref<10000x32xbf16, #tpu.memory_space<hbm>>) dst(%arg7 : memref<128x32xbf16, #tpu.memory_space<vmem>>)
          %add3A_113 = arith.addi %add3A_4, %while3A_60 : i32
          %sub3A_114 = arith.constant 1 : i32
          %sub3A_115 = arith.subi %add3A_113, %sub3A_114 : i32
          %mul3A_116 = arith.constant 128 : i32
          %mul3A_117 = arith.muli %sub3A_115, %mul3A_116 : i32
          "tpu.region"() ({
            %run_scoped3A_118 = tpu.sem_alloc : memref<!tpu.dma_semaphore, #tpu.memory_space<semaphore_mem>>
            %dma_start3A = arith.constant 0 : i32
            %dma_start3A_119 = tpu.memref_slice %arg4[%mul3A_117, %dma_start3A] : memref<160000x32xbf16, #tpu.memory_space<hbm>> -> memref<128x32xbf16, #tpu.memory_space<hbm>>
            %dma_start3A_120 = arith.constant 0 : i32
            %dma_start3A_121 = tpu.memref_slice %arg4[%mul3A_117, %dma_start3A_120] : memref<160000x32xbf16, #tpu.memory_space<hbm>> -> memref<128x32xbf16, #tpu.memory_space<hbm>>
            tpu.enqueue_dma source(%arg7 : memref<128x32xbf16, #tpu.memory_space<vmem>>) target(%dma_start3A_121 : memref<128x32xbf16, #tpu.memory_space<hbm>>) target_semaphore(%run_scoped3A_118 : memref<!tpu.dma_semaphore, #tpu.memory_space<semaphore_mem>>)
            %dma_wait3A_122 = arith.constant 0 : i32
            %dma_wait3A_123 = tpu.memref_slice %arg4[%mul3A_117, %dma_wait3A_122] : memref<160000x32xbf16, #tpu.memory_space<hbm>> -> memref<128x32xbf16, #tpu.memory_space<hbm>>
            %dma_wait3A_124 = arith.constant 0 : i32
            %dma_wait3A_125 = tpu.memref_slice %arg4[%mul3A_117, %dma_wait3A_124] : memref<160000x32xbf16, #tpu.memory_space<hbm>> -> memref<128x32xbf16, #tpu.memory_space<hbm>>
            tpu.wait_dma2 semaphore(%run_scoped3A_118 : memref<!tpu.dma_semaphore, #tpu.memory_space<semaphore_mem>>) src(%arg7 : memref<128x32xbf16, #tpu.memory_space<vmem>>) dst(%dma_wait3A_125 : memref<128x32xbf16, #tpu.memory_space<hbm>>)
            tpu.yield
          }) : () -> ()
        } else {
        }
      } else {
      }
    }
    %sub3A_20 = arith.constant 1 : i32
    %sub3A_21 = arith.subi %add3A_8, %sub3A_20 : i32
    %jit3A_22 = arith.constant 2 : i32
    %eq3A = arith.constant 0 : i32
    %eq3A_23 = arith.cmpi eq, %jit3A_22, %eq3A : i32
    %jit3A_24 = arith.constant 1 : i32
    %select_n3A_25 = arith.select %eq3A_23, %jit3A_24, %jit3A_22 : i32
    %rem3A = arith.remsi %sub3A_21, %select_n3A_25 : i32
    %ne3A = arith.constant 0 : i32
    %ne3A_26 = arith.cmpi ne, %rem3A, %ne3A : i32
    %lt3A_27 = arith.constant 0 : i32
    %lt3A_28 = arith.cmpi slt, %rem3A, %lt3A_27 : i32
    %lt3A_29 = arith.constant 0 : i32
    %lt3A_30 = arith.cmpi slt, %select_n3A_25, %lt3A_29 : i32
    %ne3A_31 = arith.xori %lt3A_28, %lt3A_30 : i1
    %and3A = arith.andi %ne3A_31, %ne3A_26 : i1
    %add3A_32 = arith.addi %rem3A, %select_n3A_25 : i32
    %select_n3A_33 = arith.select %and3A, %add3A_32, %rem3A : i32
    %eq3A_34 = arith.constant 0 : i32
    %eq3A_35 = arith.cmpi eq, %select_n3A_33, %eq3A_34 : i32
    %convert_element_type3A = arith.extui %eq3A_35 : i1 to i32
    %cond3A = arith.constant 0 : i32
    %cond3A_36 = arith.cmpi ne, %convert_element_type3A, %cond3A : i32
    scf.if %cond3A_36 {
      %add3A_60 = arith.addi %sub3A, %add3A_8 : i32
      %sub3A_61 = arith.constant 1 : i32
      %sub3A_62 = arith.subi %add3A_60, %sub3A_61 : i32
      %dma_wait3A = arith.constant 0 : i32
      %dma_wait3A_63 = tpu.memref_slice %arg5[%sub3A_62, %dma_wait3A] : memref<40x128xi32, #tpu.memory_space<vmem>> -> memref<1x128xi32, #tpu.memory_space<vmem>>
      %dma_wait3A_64 = tpu.memref_squeeze %dma_wait3A_63 : memref<1x128xi32, #tpu.memory_space<vmem>> -> memref<128xi32, #tpu.memory_space<vmem>>
      %dma_wait3A_65 = arith.constant 0 : i32
      %dma_wait3A_66 = arith.constant 0 : i32
      %dma_wait3A_67 = tpu.memref_slice %arg2[%dma_wait3A_65, %dma_wait3A_66] : memref<10000x32xbf16, #tpu.memory_space<hbm>> -> memref<10000x32xbf16, #tpu.memory_space<hbm>>
      tpu.wait_indirect_dma semaphore(%arg8 : memref<!tpu.dma_semaphore, #tpu.memory_space<semaphore_mem>>) src(%dma_wait3A_67 : memref<10000x32xbf16, #tpu.memory_space<hbm>>) dst(%arg6 : memref<128x32xbf16, #tpu.memory_space<vmem>>)
      %add3A_68 = arith.addi %add3A_4, %add3A_8 : i32
      %sub3A_69 = arith.constant 1 : i32
      %sub3A_70 = arith.subi %add3A_68, %sub3A_69 : i32
      %mul3A_71 = arith.constant 128 : i32
      %mul3A_72 = arith.muli %sub3A_70, %mul3A_71 : i32
      "tpu.region"() ({
        %run_scoped3A_73 = tpu.sem_alloc : memref<!tpu.dma_semaphore, #tpu.memory_space<semaphore_mem>>
        %dma_start3A = arith.constant 0 : i32
        %dma_start3A_74 = tpu.memref_slice %arg4[%mul3A_72, %dma_start3A] : memref<160000x32xbf16, #tpu.memory_space<hbm>> -> memref<128x32xbf16, #tpu.memory_space<hbm>>
        %dma_start3A_75 = arith.constant 0 : i32
        %dma_start3A_76 = tpu.memref_slice %arg4[%mul3A_72, %dma_start3A_75] : memref<160000x32xbf16, #tpu.memory_space<hbm>> -> memref<128x32xbf16, #tpu.memory_space<hbm>>
        tpu.enqueue_dma source(%arg6 : memref<128x32xbf16, #tpu.memory_space<vmem>>) target(%dma_start3A_76 : memref<128x32xbf16, #tpu.memory_space<hbm>>) target_semaphore(%run_scoped3A_73 : memref<!tpu.dma_semaphore, #tpu.memory_space<semaphore_mem>>)
        %dma_wait3A_77 = arith.constant 0 : i32
        %dma_wait3A_78 = tpu.memref_slice %arg4[%mul3A_72, %dma_wait3A_77] : memref<160000x32xbf16, #tpu.memory_space<hbm>> -> memref<128x32xbf16, #tpu.memory_space<hbm>>
        %dma_wait3A_79 = arith.constant 0 : i32
        %dma_wait3A_80 = tpu.memref_slice %arg4[%mul3A_72, %dma_wait3A_79] : memref<160000x32xbf16, #tpu.memory_space<hbm>> -> memref<128x32xbf16, #tpu.memory_space<hbm>>
        tpu.wait_dma2 semaphore(%run_scoped3A_73 : memref<!tpu.dma_semaphore, #tpu.memory_space<semaphore_mem>>) src(%arg6 : memref<128x32xbf16, #tpu.memory_space<vmem>>) dst(%dma_wait3A_80 : memref<128x32xbf16, #tpu.memory_space<hbm>>)
        tpu.yield
      }) : () -> ()
    } else {
    }
    %sub3A_37 = arith.constant 1 : i32
    %sub3A_38 = arith.subi %add3A_8, %sub3A_37 : i32
    %jit3A_39 = arith.constant 2 : i32
    %eq3A_40 = arith.constant 0 : i32
    %eq3A_41 = arith.cmpi eq, %jit3A_39, %eq3A_40 : i32
    %jit3A_42 = arith.constant 1 : i32
    %select_n3A_43 = arith.select %eq3A_41, %jit3A_42, %jit3A_39 : i32
    %rem3A_44 = arith.remsi %sub3A_38, %select_n3A_43 : i32
    %ne3A_45 = arith.constant 0 : i32
    %ne3A_46 = arith.cmpi ne, %rem3A_44, %ne3A_45 : i32
    %lt3A_47 = arith.constant 0 : i32
    %lt3A_48 = arith.cmpi slt, %rem3A_44, %lt3A_47 : i32
    %lt3A_49 = arith.constant 0 : i32
    %lt3A_50 = arith.cmpi slt, %select_n3A_43, %lt3A_49 : i32
    %ne3A_51 = arith.xori %lt3A_48, %lt3A_50 : i1
    %and3A_52 = arith.andi %ne3A_51, %ne3A_46 : i1
    %add3A_53 = arith.addi %rem3A_44, %select_n3A_43 : i32
    %select_n3A_54 = arith.select %and3A_52, %add3A_53, %rem3A_44 : i32
    %eq3A_55 = arith.constant 1 : i32
    %eq3A_56 = arith.cmpi eq, %select_n3A_54, %eq3A_55 : i32
    %convert_element_type3A_57 = arith.extui %eq3A_56 : i1 to i32
    %cond3A_58 = arith.constant 0 : i32
    %cond3A_59 = arith.cmpi ne, %convert_element_type3A_57, %cond3A_58 : i32
    scf.if %cond3A_59 {
      %add3A_60 = arith.addi %sub3A, %add3A_8 : i32
      %sub3A_61 = arith.constant 1 : i32
      %sub3A_62 = arith.subi %add3A_60, %sub3A_61 : i32
      %dma_wait3A = arith.constant 0 : i32
      %dma_wait3A_63 = tpu.memref_slice %arg5[%sub3A_62, %dma_wait3A] : memref<40x128xi32, #tpu.memory_space<vmem>> -> memref<1x128xi32, #tpu.memory_space<vmem>>
      %dma_wait3A_64 = tpu.memref_squeeze %dma_wait3A_63 : memref<1x128xi32, #tpu.memory_space<vmem>> -> memref<128xi32, #tpu.memory_space<vmem>>
      %dma_wait3A_65 = arith.constant 0 : i32
      %dma_wait3A_66 = arith.constant 0 : i32
      %dma_wait3A_67 = tpu.memref_slice %arg2[%dma_wait3A_65, %dma_wait3A_66] : memref<10000x32xbf16, #tpu.memory_space<hbm>> -> memref<10000x32xbf16, #tpu.memory_space<hbm>>
      tpu.wait_indirect_dma semaphore(%arg9 : memref<!tpu.dma_semaphore, #tpu.memory_space<semaphore_mem>>) src(%dma_wait3A_67 : memref<10000x32xbf16, #tpu.memory_space<hbm>>) dst(%arg7 : memref<128x32xbf16, #tpu.memory_space<vmem>>)
      %add3A_68 = arith.addi %add3A_4, %add3A_8 : i32
      %sub3A_69 = arith.constant 1 : i32
      %sub3A_70 = arith.subi %add3A_68, %sub3A_69 : i32
      %mul3A_71 = arith.constant 128 : i32
      %mul3A_72 = arith.muli %sub3A_70, %mul3A_71 : i32
      "tpu.region"() ({
        %run_scoped3A_73 = tpu.sem_alloc : memref<!tpu.dma_semaphore, #tpu.memory_space<semaphore_mem>>
        %dma_start3A = arith.constant 0 : i32
        %dma_start3A_74 = tpu.memref_slice %arg4[%mul3A_72, %dma_start3A] : memref<160000x32xbf16, #tpu.memory_space<hbm>> -> memref<128x32xbf16, #tpu.memory_space<hbm>>
        %dma_start3A_75 = arith.constant 0 : i32
        %dma_start3A_76 = tpu.memref_slice %arg4[%mul3A_72, %dma_start3A_75] : memref<160000x32xbf16, #tpu.memory_space<hbm>> -> memref<128x32xbf16, #tpu.memory_space<hbm>>
        tpu.enqueue_dma source(%arg7 : memref<128x32xbf16, #tpu.memory_space<vmem>>) target(%dma_start3A_76 : memref<128x32xbf16, #tpu.memory_space<hbm>>) target_semaphore(%run_scoped3A_73 : memref<!tpu.dma_semaphore, #tpu.memory_space<semaphore_mem>>)
        %dma_wait3A_77 = arith.constant 0 : i32
        %dma_wait3A_78 = tpu.memref_slice %arg4[%mul3A_72, %dma_wait3A_77] : memref<160000x32xbf16, #tpu.memory_space<hbm>> -> memref<128x32xbf16, #tpu.memory_space<hbm>>
        %dma_wait3A_79 = arith.constant 0 : i32
        %dma_wait3A_80 = tpu.memref_slice %arg4[%mul3A_72, %dma_wait3A_79] : memref<160000x32xbf16, #tpu.memory_space<hbm>> -> memref<128x32xbf16, #tpu.memory_space<hbm>>
        tpu.wait_dma2 semaphore(%run_scoped3A_73 : memref<!tpu.dma_semaphore, #tpu.memory_space<semaphore_mem>>) src(%arg7 : memref<128x32xbf16, #tpu.memory_space<vmem>>) dst(%dma_wait3A_80 : memref<128x32xbf16, #tpu.memory_space<hbm>>)
        tpu.yield
      }) : () -> ()
    } else {
    }
    return
  }
}

#map = affine_map<(d0, d1) -> (0, 0)>
#map1 = affine_map<(d0, d1) -> (0, 0, 0)>
module attributes {stable_mosaic.version = 14 : i64} {
  func.func @_scatter(%arg0: i32, %arg1: i32, %arg2: memref<160000x32xbf16, #tpu.memory_space<hbm>>, %arg3: memref<2x1250x128xi32, #tpu.memory_space<hbm>>, %arg4: memref<10000x32xbf16, #tpu.memory_space<hbm>>, %arg5: memref<10000x32xbf16, #tpu.memory_space<hbm>>, %arg6: memref<79x128xi32, #tpu.memory_space<vmem>>, %arg7: memref<128x32xbf16, #tpu.memory_space<vmem>>, %arg8: memref<128x32xbf16, #tpu.memory_space<vmem>>, %arg9: memref<10000x32xbf16, #tpu.memory_space<vmem_shared>>, %arg10: memref<!tpu.dma_semaphore, #tpu.memory_space<semaphore_mem>>, %arg11: memref<!tpu.dma_semaphore, #tpu.memory_space<semaphore_mem>>) attributes {dimension_semantics = [#tpu.dimension_semantics<core_parallel>, #tpu.dimension_semantics<subcore_parallel>], iteration_bounds = array<i64: 1, 16>, scalar_prefetch = 0 : i64, scratch_operands = 6 : i64, tpu.core_type = #tpu.core_type<sc_vector_subcore>, window_params = [{transform_indices = #map}, {transform_indices = #map1}, {transform_indices = #map}, {transform_indices = #map}]} {
    %mul3A = arith.constant 625 : i32
    %mul3A_0 = arith.muli %arg1, %mul3A : i32
    %mul3A_1 = arith.constant 625 : i32
    %mul3A_2 = arith.muli %arg1, %mul3A_1 : i32
    "tpu.region"() ({
      %run_scoped3A_66 = tpu.sem_alloc : memref<!tpu.dma_semaphore, #tpu.memory_space<semaphore_mem>>
      %dma_start3A = arith.constant 0 : i32
      %dma_start3A_67 = tpu.memref_slice %arg9[%mul3A_2, %dma_start3A] : memref<10000x32xbf16, #tpu.memory_space<vmem_shared>> -> memref<625x32xbf16, #tpu.memory_space<vmem_shared>>
      %dma_start3A_68 = arith.constant 0 : i32
      %dma_start3A_69 = tpu.memref_slice %arg4[%mul3A_0, %dma_start3A_68] : memref<10000x32xbf16, #tpu.memory_space<hbm>> -> memref<625x32xbf16, #tpu.memory_space<hbm>>
      tpu.enqueue_dma source(%dma_start3A_69 : memref<625x32xbf16, #tpu.memory_space<hbm>>) target(%dma_start3A_67 : memref<625x32xbf16, #tpu.memory_space<vmem_shared>>) target_semaphore(%run_scoped3A_66 : memref<!tpu.dma_semaphore, #tpu.memory_space<semaphore_mem>>)
      %dma_wait3A = arith.constant 0 : i32
      %dma_wait3A_70 = tpu.memref_slice %arg9[%mul3A_2, %dma_wait3A] : memref<10000x32xbf16, #tpu.memory_space<vmem_shared>> -> memref<625x32xbf16, #tpu.memory_space<vmem_shared>>
      %dma_wait3A_71 = arith.constant 0 : i32
      %dma_wait3A_72 = tpu.memref_slice %arg4[%mul3A_0, %dma_wait3A_71] : memref<10000x32xbf16, #tpu.memory_space<hbm>> -> memref<625x32xbf16, #tpu.memory_space<hbm>>
      tpu.wait_dma2 semaphore(%run_scoped3A_66 : memref<!tpu.dma_semaphore, #tpu.memory_space<semaphore_mem>>) src(%dma_wait3A_72 : memref<625x32xbf16, #tpu.memory_space<hbm>>) dst(%dma_wait3A_70 : memref<625x32xbf16, #tpu.memory_space<vmem_shared>>)
      tpu.yield
    }) : () -> ()
    %mul3A_3 = arith.constant 78 : i32
    %mul3A_4 = arith.muli %mul3A_3, %arg1 : i32
    %min3A = arith.constant 2 : i32
    %min3A_5 = arith.minsi %arg1, %min3A : i32
    %add3A = arith.addi %mul3A_4, %min3A_5 : i32
    %lt3A = arith.constant 2 : i32
    %lt3A_6 = arith.cmpi slt, %arg1, %lt3A : i32
    %jit3A = arith.constant 1 : i32
    %jit3A_7 = arith.constant 0 : i32
    %select_n3A = arith.select %lt3A_6, %jit3A, %jit3A_7 : i32
    %add3A_8 = arith.constant 78 : i32
    %add3A_9 = arith.addi %add3A_8, %select_n3A : i32
    %min3A_10 = arith.constant 1171 : i32
    %min3A_11 = arith.minsi %add3A, %min3A_10 : i32
    %sub3A = arith.subi %add3A, %min3A_11 : i32
    %run_scoped3A = arith.constant 0 : i32
    "tpu.region"() ({
      %run_scoped3A_66 = tpu.sem_alloc : memref<!tpu.dma_semaphore, #tpu.memory_space<semaphore_mem>>
      %dma_start3A = arith.constant 0 : i32
      %dma_start3A_67 = tpu.memref_slice %arg3[%run_scoped3A, %min3A_11, %dma_start3A] : memref<2x1250x128xi32, #tpu.memory_space<hbm>> -> memref<1x79x128xi32, #tpu.memory_space<hbm>>
      %dma_start3A_68 = tpu.memref_squeeze %dma_start3A_67 : memref<1x79x128xi32, #tpu.memory_space<hbm>> -> memref<79x128xi32, #tpu.memory_space<hbm>>
      %dma_start3A_69 = arith.constant 0 : i32
      %dma_start3A_70 = tpu.memref_slice %arg3[%run_scoped3A, %min3A_11, %dma_start3A_69] : memref<2x1250x128xi32, #tpu.memory_space<hbm>> -> memref<1x79x128xi32, #tpu.memory_space<hbm>>
      %dma_start3A_71 = tpu.memref_squeeze %dma_start3A_70 : memref<1x79x128xi32, #tpu.memory_space<hbm>> -> memref<79x128xi32, #tpu.memory_space<hbm>>
      tpu.enqueue_dma source(%dma_start3A_71 : memref<79x128xi32, #tpu.memory_space<hbm>>) target(%arg6 : memref<79x128xi32, #tpu.memory_space<vmem>>) target_semaphore(%run_scoped3A_66 : memref<!tpu.dma_semaphore, #tpu.memory_space<semaphore_mem>>)
      %dma_wait3A = arith.constant 0 : i32
      %dma_wait3A_72 = tpu.memref_slice %arg3[%run_scoped3A, %min3A_11, %dma_wait3A] : memref<2x1250x128xi32, #tpu.memory_space<hbm>> -> memref<1x79x128xi32, #tpu.memory_space<hbm>>
      %dma_wait3A_73 = tpu.memref_squeeze %dma_wait3A_72 : memref<1x79x128xi32, #tpu.memory_space<hbm>> -> memref<79x128xi32, #tpu.memory_space<hbm>>
      %dma_wait3A_74 = arith.constant 0 : i32
      %dma_wait3A_75 = tpu.memref_slice %arg3[%run_scoped3A, %min3A_11, %dma_wait3A_74] : memref<2x1250x128xi32, #tpu.memory_space<hbm>> -> memref<1x79x128xi32, #tpu.memory_space<hbm>>
      %dma_wait3A_76 = tpu.memref_squeeze %dma_wait3A_75 : memref<1x79x128xi32, #tpu.memory_space<hbm>> -> memref<79x128xi32, #tpu.memory_space<hbm>>
      tpu.wait_dma2 semaphore(%run_scoped3A_66 : memref<!tpu.dma_semaphore, #tpu.memory_space<semaphore_mem>>) src(%dma_wait3A_76 : memref<79x128xi32, #tpu.memory_space<hbm>>) dst(%arg6 : memref<79x128xi32, #tpu.memory_space<vmem>>)
      tpu.yield
    }) : () -> ()
    %barrier3A = arith.constant 0 : index
    tpu.barrier barrier_id(%barrier3A)
    %while3A = arith.constant 0 : i32
    %while3A_12 = arith.constant 0 : i32
    %while3A_13 = arith.subi %add3A_9, %while3A_12 : i32
    %while3A_14 = arith.addi %while3A_12, %while3A_13 : i32
    %while3A_15 = arith.constant 1 : i32
    %while3A_16 = arith.divsi %while3A_13, %while3A_15 : i32
    %while3A_17 = arith.muli %while3A_16, %while3A_15 : i32
    %while3A_18 = arith.addi %while3A_12, %while3A_17 : i32
    %while3A_19 = arith.constant 1 : i32
    scf.for %while3A_66 = %while3A_12 to %while3A_18 step %while3A_19  : i32 {
      %jit3A_67 = arith.constant 2 : i32
      %eq3A_68 = arith.constant 0 : i32
      %eq3A_69 = arith.cmpi eq, %jit3A_67, %eq3A_68 : i32
      %jit3A_70 = arith.constant 1 : i32
      %select_n3A_71 = arith.select %eq3A_69, %jit3A_70, %jit3A_67 : i32
      %rem3A_72 = arith.remsi %while3A_66, %select_n3A_71 : i32
      %ne3A_73 = arith.constant 0 : i32
      %ne3A_74 = arith.cmpi ne, %rem3A_72, %ne3A_73 : i32
      %lt3A_75 = arith.constant 0 : i32
      %lt3A_76 = arith.cmpi slt, %rem3A_72, %lt3A_75 : i32
      %lt3A_77 = arith.constant 0 : i32
      %lt3A_78 = arith.cmpi slt, %select_n3A_71, %lt3A_77 : i32
      %ne3A_79 = arith.xori %lt3A_76, %lt3A_78 : i1
      %and3A_80 = arith.andi %ne3A_79, %ne3A_74 : i1
      %add3A_81 = arith.addi %rem3A_72, %select_n3A_71 : i32
      %select_n3A_82 = arith.select %and3A_80, %add3A_81, %rem3A_72 : i32
      %eq3A_83 = arith.constant 0 : i32
      %eq3A_84 = arith.cmpi eq, %select_n3A_82, %eq3A_83 : i32
      %convert_element_type3A_85 = arith.extui %eq3A_84 : i1 to i32
      %cond3A_86 = arith.constant 0 : i32
      %cond3A_87 = arith.cmpi ne, %convert_element_type3A_85, %cond3A_86 : i32
      scf.if %cond3A_87 {
        %add3A_97 = arith.addi %add3A, %while3A_66 : i32
        %mul3A_98 = arith.constant 128 : i32
        %mul3A_99 = arith.muli %add3A_97, %mul3A_98 : i32
        %dma_start3A = arith.constant 0 : i32
        %dma_start3A_100 = tpu.memref_slice %arg2[%mul3A_99, %dma_start3A] : memref<160000x32xbf16, #tpu.memory_space<hbm>> -> memref<128x32xbf16, #tpu.memory_space<hbm>>
        %dma_start3A_101 = arith.constant 0 : i32
        %dma_start3A_102 = tpu.memref_slice %arg2[%mul3A_99, %dma_start3A_101] : memref<160000x32xbf16, #tpu.memory_space<hbm>> -> memref<128x32xbf16, #tpu.memory_space<hbm>>
        tpu.enqueue_dma source(%dma_start3A_102 : memref<128x32xbf16, #tpu.memory_space<hbm>>) target(%arg7 : memref<128x32xbf16, #tpu.memory_space<vmem>>) target_semaphore(%arg10 : memref<!tpu.dma_semaphore, #tpu.memory_space<semaphore_mem>>)
      } else {
      }
      %eq3A_88 = arith.constant 1 : i32
      %eq3A_89 = arith.cmpi eq, %select_n3A_82, %eq3A_88 : i32
      %convert_element_type3A_90 = arith.extui %eq3A_89 : i1 to i32
      %cond3A_91 = arith.constant 0 : i32
      %cond3A_92 = arith.cmpi ne, %convert_element_type3A_90, %cond3A_91 : i32
      scf.if %cond3A_92 {
        %add3A_97 = arith.addi %add3A, %while3A_66 : i32
        %mul3A_98 = arith.constant 128 : i32
        %mul3A_99 = arith.muli %add3A_97, %mul3A_98 : i32
        %dma_start3A = arith.constant 0 : i32
        %dma_start3A_100 = tpu.memref_slice %arg2[%mul3A_99, %dma_start3A] : memref<160000x32xbf16, #tpu.memory_space<hbm>> -> memref<128x32xbf16, #tpu.memory_space<hbm>>
        %dma_start3A_101 = arith.constant 0 : i32
        %dma_start3A_102 = tpu.memref_slice %arg2[%mul3A_99, %dma_start3A_101] : memref<160000x32xbf16, #tpu.memory_space<hbm>> -> memref<128x32xbf16, #tpu.memory_space<hbm>>
        tpu.enqueue_dma source(%dma_start3A_102 : memref<128x32xbf16, #tpu.memory_space<hbm>>) target(%arg8 : memref<128x32xbf16, #tpu.memory_space<vmem>>) target_semaphore(%arg11 : memref<!tpu.dma_semaphore, #tpu.memory_space<semaphore_mem>>)
      } else {
      }
      %ge3A = arith.constant 1 : i32
      %ge3A_93 = arith.cmpi sge, %while3A_66, %ge3A : i32
      %convert_element_type3A_94 = arith.extui %ge3A_93 : i1 to i32
      %cond3A_95 = arith.constant 0 : i32
      %cond3A_96 = arith.cmpi ne, %convert_element_type3A_94, %cond3A_95 : i32
      scf.if %cond3A_96 {
        %sub3A_97 = arith.constant 1 : i32
        %sub3A_98 = arith.subi %sub3A_97, %select_n3A_82 : i32
        %eq3A_99 = arith.constant 0 : i32
        %eq3A_100 = arith.cmpi eq, %sub3A_98, %eq3A_99 : i32
        %convert_element_type3A_101 = arith.extui %eq3A_100 : i1 to i32
        %cond3A_102 = arith.constant 0 : i32
        %cond3A_103 = arith.cmpi ne, %convert_element_type3A_101, %cond3A_102 : i32
        scf.if %cond3A_103 {
          %add3A_111 = arith.addi %add3A, %while3A_66 : i32
          %sub3A_112 = arith.constant 1 : i32
          %sub3A_113 = arith.subi %add3A_111, %sub3A_112 : i32
          %mul3A_114 = arith.constant 128 : i32
          %mul3A_115 = arith.muli %sub3A_113, %mul3A_114 : i32
          %dma_wait3A = arith.constant 0 : i32
          %dma_wait3A_116 = tpu.memref_slice %arg2[%mul3A_115, %dma_wait3A] : memref<160000x32xbf16, #tpu.memory_space<hbm>> -> memref<128x32xbf16, #tpu.memory_space<hbm>>
          %dma_wait3A_117 = arith.constant 0 : i32
          %dma_wait3A_118 = tpu.memref_slice %arg2[%mul3A_115, %dma_wait3A_117] : memref<160000x32xbf16, #tpu.memory_space<hbm>> -> memref<128x32xbf16, #tpu.memory_space<hbm>>
          tpu.wait_dma2 semaphore(%arg10 : memref<!tpu.dma_semaphore, #tpu.memory_space<semaphore_mem>>) src(%dma_wait3A_118 : memref<128x32xbf16, #tpu.memory_space<hbm>>) dst(%arg7 : memref<128x32xbf16, #tpu.memory_space<vmem>>)
          %add3A_119 = arith.addi %sub3A, %while3A_66 : i32
          %sub3A_120 = arith.constant 1 : i32
          %sub3A_121 = arith.subi %add3A_119, %sub3A_120 : i32
          "tpu.region"() ({
            %run_scoped3A_122 = tpu.sem_alloc : memref<!tpu.dma_semaphore, #tpu.memory_space<semaphore_mem>>
            %dma_start3A = arith.constant 0 : i32
            %dma_start3A_123 = tpu.memref_slice %arg6[%sub3A_121, %dma_start3A] : memref<79x128xi32, #tpu.memory_space<vmem>> -> memref<1x128xi32, #tpu.memory_space<vmem>>
            %dma_start3A_124 = tpu.memref_squeeze %dma_start3A_123 : memref<1x128xi32, #tpu.memory_space<vmem>> -> memref<128xi32, #tpu.memory_space<vmem>>
            %dma_start3A_125 = arith.constant 0 : i32
            %dma_start3A_126 = arith.constant 0 : i32
            %dma_start3A_127 = tpu.memref_slice %arg9[%dma_start3A_125, %dma_start3A_126] : memref<10000x32xbf16, #tpu.memory_space<vmem_shared>> -> memref<10000x32xbf16, #tpu.memory_space<vmem_shared>>
            tpu.enqueue_indirect_dma source(%arg7 : memref<128x32xbf16, #tpu.memory_space<vmem>>) target(%dma_start3A_127 : memref<10000x32xbf16, #tpu.memory_space<vmem_shared>>) offsets(%dma_start3A_124 : memref<128xi32, #tpu.memory_space<vmem>>) semaphore(%run_scoped3A_122 : memref<!tpu.dma_semaphore, #tpu.memory_space<semaphore_mem>>) {add = true}
            %dma_wait3A_128 = arith.constant 0 : i32
            %dma_wait3A_129 = tpu.memref_slice %arg6[%sub3A_121, %dma_wait3A_128] : memref<79x128xi32, #tpu.memory_space<vmem>> -> memref<1x128xi32, #tpu.memory_space<vmem>>
            %dma_wait3A_130 = tpu.memref_squeeze %dma_wait3A_129 : memref<1x128xi32, #tpu.memory_space<vmem>> -> memref<128xi32, #tpu.memory_space<vmem>>
            %dma_wait3A_131 = arith.constant 0 : i32
            %dma_wait3A_132 = arith.constant 0 : i32
            %dma_wait3A_133 = tpu.memref_slice %arg9[%dma_wait3A_131, %dma_wait3A_132] : memref<10000x32xbf16, #tpu.memory_space<vmem_shared>> -> memref<10000x32xbf16, #tpu.memory_space<vmem_shared>>
            tpu.wait_indirect_dma semaphore(%run_scoped3A_122 : memref<!tpu.dma_semaphore, #tpu.memory_space<semaphore_mem>>) src(%arg7 : memref<128x32xbf16, #tpu.memory_space<vmem>>) dst(%dma_wait3A_133 : memref<10000x32xbf16, #tpu.memory_space<vmem_shared>>)
            tpu.yield
          }) : () -> ()
        } else {
        }
        %sub3A_104 = arith.constant 1 : i32
        %sub3A_105 = arith.subi %sub3A_104, %select_n3A_82 : i32
        %eq3A_106 = arith.constant 1 : i32
        %eq3A_107 = arith.cmpi eq, %sub3A_105, %eq3A_106 : i32
        %convert_element_type3A_108 = arith.extui %eq3A_107 : i1 to i32
        %cond3A_109 = arith.constant 0 : i32
        %cond3A_110 = arith.cmpi ne, %convert_element_type3A_108, %cond3A_109 : i32
        scf.if %cond3A_110 {
          %add3A_111 = arith.addi %add3A, %while3A_66 : i32
          %sub3A_112 = arith.constant 1 : i32
          %sub3A_113 = arith.subi %add3A_111, %sub3A_112 : i32
          %mul3A_114 = arith.constant 128 : i32
          %mul3A_115 = arith.muli %sub3A_113, %mul3A_114 : i32
          %dma_wait3A = arith.constant 0 : i32
          %dma_wait3A_116 = tpu.memref_slice %arg2[%mul3A_115, %dma_wait3A] : memref<160000x32xbf16, #tpu.memory_space<hbm>> -> memref<128x32xbf16, #tpu.memory_space<hbm>>
          %dma_wait3A_117 = arith.constant 0 : i32
          %dma_wait3A_118 = tpu.memref_slice %arg2[%mul3A_115, %dma_wait3A_117] : memref<160000x32xbf16, #tpu.memory_space<hbm>> -> memref<128x32xbf16, #tpu.memory_space<hbm>>
          tpu.wait_dma2 semaphore(%arg11 : memref<!tpu.dma_semaphore, #tpu.memory_space<semaphore_mem>>) src(%dma_wait3A_118 : memref<128x32xbf16, #tpu.memory_space<hbm>>) dst(%arg8 : memref<128x32xbf16, #tpu.memory_space<vmem>>)
          %add3A_119 = arith.addi %sub3A, %while3A_66 : i32
          %sub3A_120 = arith.constant 1 : i32
          %sub3A_121 = arith.subi %add3A_119, %sub3A_120 : i32
          "tpu.region"() ({
            %run_scoped3A_122 = tpu.sem_alloc : memref<!tpu.dma_semaphore, #tpu.memory_space<semaphore_mem>>
            %dma_start3A = arith.constant 0 : i32
            %dma_start3A_123 = tpu.memref_slice %arg6[%sub3A_121, %dma_start3A] : memref<79x128xi32, #tpu.memory_space<vmem>> -> memref<1x128xi32, #tpu.memory_space<vmem>>
            %dma_start3A_124 = tpu.memref_squeeze %dma_start3A_123 : memref<1x128xi32, #tpu.memory_space<vmem>> -> memref<128xi32, #tpu.memory_space<vmem>>
            %dma_start3A_125 = arith.constant 0 : i32
            %dma_start3A_126 = arith.constant 0 : i32
            %dma_start3A_127 = tpu.memref_slice %arg9[%dma_start3A_125, %dma_start3A_126] : memref<10000x32xbf16, #tpu.memory_space<vmem_shared>> -> memref<10000x32xbf16, #tpu.memory_space<vmem_shared>>
            tpu.enqueue_indirect_dma source(%arg8 : memref<128x32xbf16, #tpu.memory_space<vmem>>) target(%dma_start3A_127 : memref<10000x32xbf16, #tpu.memory_space<vmem_shared>>) offsets(%dma_start3A_124 : memref<128xi32, #tpu.memory_space<vmem>>) semaphore(%run_scoped3A_122 : memref<!tpu.dma_semaphore, #tpu.memory_space<semaphore_mem>>) {add = true}
            %dma_wait3A_128 = arith.constant 0 : i32
            %dma_wait3A_129 = tpu.memref_slice %arg6[%sub3A_121, %dma_wait3A_128] : memref<79x128xi32, #tpu.memory_space<vmem>> -> memref<1x128xi32, #tpu.memory_space<vmem>>
            %dma_wait3A_130 = tpu.memref_squeeze %dma_wait3A_129 : memref<1x128xi32, #tpu.memory_space<vmem>> -> memref<128xi32, #tpu.memory_space<vmem>>
            %dma_wait3A_131 = arith.constant 0 : i32
            %dma_wait3A_132 = arith.constant 0 : i32
            %dma_wait3A_133 = tpu.memref_slice %arg9[%dma_wait3A_131, %dma_wait3A_132] : memref<10000x32xbf16, #tpu.memory_space<vmem_shared>> -> memref<10000x32xbf16, #tpu.memory_space<vmem_shared>>
            tpu.wait_indirect_dma semaphore(%run_scoped3A_122 : memref<!tpu.dma_semaphore, #tpu.memory_space<semaphore_mem>>) src(%arg8 : memref<128x32xbf16, #tpu.memory_space<vmem>>) dst(%dma_wait3A_133 : memref<10000x32xbf16, #tpu.memory_space<vmem_shared>>)
            tpu.yield
          }) : () -> ()
        } else {
        }
      } else {
      }
    }
    %while3A_20 = arith.constant 1 : i32
    scf.for %while3A_66 = %while3A_18 to %while3A_14 step %while3A_20  : i32 {
      %jit3A_67 = arith.constant 2 : i32
      %eq3A_68 = arith.constant 0 : i32
      %eq3A_69 = arith.cmpi eq, %jit3A_67, %eq3A_68 : i32
      %jit3A_70 = arith.constant 1 : i32
      %select_n3A_71 = arith.select %eq3A_69, %jit3A_70, %jit3A_67 : i32
      %rem3A_72 = arith.remsi %while3A_66, %select_n3A_71 : i32
      %ne3A_73 = arith.constant 0 : i32
      %ne3A_74 = arith.cmpi ne, %rem3A_72, %ne3A_73 : i32
      %lt3A_75 = arith.constant 0 : i32
      %lt3A_76 = arith.cmpi slt, %rem3A_72, %lt3A_75 : i32
      %lt3A_77 = arith.constant 0 : i32
      %lt3A_78 = arith.cmpi slt, %select_n3A_71, %lt3A_77 : i32
      %ne3A_79 = arith.xori %lt3A_76, %lt3A_78 : i1
      %and3A_80 = arith.andi %ne3A_79, %ne3A_74 : i1
      %add3A_81 = arith.addi %rem3A_72, %select_n3A_71 : i32
      %select_n3A_82 = arith.select %and3A_80, %add3A_81, %rem3A_72 : i32
      %eq3A_83 = arith.constant 0 : i32
      %eq3A_84 = arith.cmpi eq, %select_n3A_82, %eq3A_83 : i32
      %convert_element_type3A_85 = arith.extui %eq3A_84 : i1 to i32
      %cond3A_86 = arith.constant 0 : i32
      %cond3A_87 = arith.cmpi ne, %convert_element_type3A_85, %cond3A_86 : i32
      scf.if %cond3A_87 {
        %add3A_97 = arith.addi %add3A, %while3A_66 : i32
        %mul3A_98 = arith.constant 128 : i32
        %mul3A_99 = arith.muli %add3A_97, %mul3A_98 : i32
        %dma_start3A = arith.constant 0 : i32
        %dma_start3A_100 = tpu.memref_slice %arg2[%mul3A_99, %dma_start3A] : memref<160000x32xbf16, #tpu.memory_space<hbm>> -> memref<128x32xbf16, #tpu.memory_space<hbm>>
        %dma_start3A_101 = arith.constant 0 : i32
        %dma_start3A_102 = tpu.memref_slice %arg2[%mul3A_99, %dma_start3A_101] : memref<160000x32xbf16, #tpu.memory_space<hbm>> -> memref<128x32xbf16, #tpu.memory_space<hbm>>
        tpu.enqueue_dma source(%dma_start3A_102 : memref<128x32xbf16, #tpu.memory_space<hbm>>) target(%arg7 : memref<128x32xbf16, #tpu.memory_space<vmem>>) target_semaphore(%arg10 : memref<!tpu.dma_semaphore, #tpu.memory_space<semaphore_mem>>)
      } else {
      }
      %eq3A_88 = arith.constant 1 : i32
      %eq3A_89 = arith.cmpi eq, %select_n3A_82, %eq3A_88 : i32
      %convert_element_type3A_90 = arith.extui %eq3A_89 : i1 to i32
      %cond3A_91 = arith.constant 0 : i32
      %cond3A_92 = arith.cmpi ne, %convert_element_type3A_90, %cond3A_91 : i32
      scf.if %cond3A_92 {
        %add3A_97 = arith.addi %add3A, %while3A_66 : i32
        %mul3A_98 = arith.constant 128 : i32
        %mul3A_99 = arith.muli %add3A_97, %mul3A_98 : i32
        %dma_start3A = arith.constant 0 : i32
        %dma_start3A_100 = tpu.memref_slice %arg2[%mul3A_99, %dma_start3A] : memref<160000x32xbf16, #tpu.memory_space<hbm>> -> memref<128x32xbf16, #tpu.memory_space<hbm>>
        %dma_start3A_101 = arith.constant 0 : i32
        %dma_start3A_102 = tpu.memref_slice %arg2[%mul3A_99, %dma_start3A_101] : memref<160000x32xbf16, #tpu.memory_space<hbm>> -> memref<128x32xbf16, #tpu.memory_space<hbm>>
        tpu.enqueue_dma source(%dma_start3A_102 : memref<128x32xbf16, #tpu.memory_space<hbm>>) target(%arg8 : memref<128x32xbf16, #tpu.memory_space<vmem>>) target_semaphore(%arg11 : memref<!tpu.dma_semaphore, #tpu.memory_space<semaphore_mem>>)
      } else {
      }
      %ge3A = arith.constant 1 : i32
      %ge3A_93 = arith.cmpi sge, %while3A_66, %ge3A : i32
      %convert_element_type3A_94 = arith.extui %ge3A_93 : i1 to i32
      %cond3A_95 = arith.constant 0 : i32
      %cond3A_96 = arith.cmpi ne, %convert_element_type3A_94, %cond3A_95 : i32
      scf.if %cond3A_96 {
        %sub3A_97 = arith.constant 1 : i32
        %sub3A_98 = arith.subi %sub3A_97, %select_n3A_82 : i32
        %eq3A_99 = arith.constant 0 : i32
        %eq3A_100 = arith.cmpi eq, %sub3A_98, %eq3A_99 : i32
        %convert_element_type3A_101 = arith.extui %eq3A_100 : i1 to i32
        %cond3A_102 = arith.constant 0 : i32
        %cond3A_103 = arith.cmpi ne, %convert_element_type3A_101, %cond3A_102 : i32
        scf.if %cond3A_103 {
          %add3A_111 = arith.addi %add3A, %while3A_66 : i32
          %sub3A_112 = arith.constant 1 : i32
          %sub3A_113 = arith.subi %add3A_111, %sub3A_112 : i32
          %mul3A_114 = arith.constant 128 : i32
          %mul3A_115 = arith.muli %sub3A_113, %mul3A_114 : i32
          %dma_wait3A = arith.constant 0 : i32
          %dma_wait3A_116 = tpu.memref_slice %arg2[%mul3A_115, %dma_wait3A] : memref<160000x32xbf16, #tpu.memory_space<hbm>> -> memref<128x32xbf16, #tpu.memory_space<hbm>>
          %dma_wait3A_117 = arith.constant 0 : i32
          %dma_wait3A_118 = tpu.memref_slice %arg2[%mul3A_115, %dma_wait3A_117] : memref<160000x32xbf16, #tpu.memory_space<hbm>> -> memref<128x32xbf16, #tpu.memory_space<hbm>>
          tpu.wait_dma2 semaphore(%arg10 : memref<!tpu.dma_semaphore, #tpu.memory_space<semaphore_mem>>) src(%dma_wait3A_118 : memref<128x32xbf16, #tpu.memory_space<hbm>>) dst(%arg7 : memref<128x32xbf16, #tpu.memory_space<vmem>>)
          %add3A_119 = arith.addi %sub3A, %while3A_66 : i32
          %sub3A_120 = arith.constant 1 : i32
          %sub3A_121 = arith.subi %add3A_119, %sub3A_120 : i32
          "tpu.region"() ({
            %run_scoped3A_122 = tpu.sem_alloc : memref<!tpu.dma_semaphore, #tpu.memory_space<semaphore_mem>>
            %dma_start3A = arith.constant 0 : i32
            %dma_start3A_123 = tpu.memref_slice %arg6[%sub3A_121, %dma_start3A] : memref<79x128xi32, #tpu.memory_space<vmem>> -> memref<1x128xi32, #tpu.memory_space<vmem>>
            %dma_start3A_124 = tpu.memref_squeeze %dma_start3A_123 : memref<1x128xi32, #tpu.memory_space<vmem>> -> memref<128xi32, #tpu.memory_space<vmem>>
            %dma_start3A_125 = arith.constant 0 : i32
            %dma_start3A_126 = arith.constant 0 : i32
            %dma_start3A_127 = tpu.memref_slice %arg9[%dma_start3A_125, %dma_start3A_126] : memref<10000x32xbf16, #tpu.memory_space<vmem_shared>> -> memref<10000x32xbf16, #tpu.memory_space<vmem_shared>>
            tpu.enqueue_indirect_dma source(%arg7 : memref<128x32xbf16, #tpu.memory_space<vmem>>) target(%dma_start3A_127 : memref<10000x32xbf16, #tpu.memory_space<vmem_shared>>) offsets(%dma_start3A_124 : memref<128xi32, #tpu.memory_space<vmem>>) semaphore(%run_scoped3A_122 : memref<!tpu.dma_semaphore, #tpu.memory_space<semaphore_mem>>) {add = true}
            %dma_wait3A_128 = arith.constant 0 : i32
            %dma_wait3A_129 = tpu.memref_slice %arg6[%sub3A_121, %dma_wait3A_128] : memref<79x128xi32, #tpu.memory_space<vmem>> -> memref<1x128xi32, #tpu.memory_space<vmem>>
            %dma_wait3A_130 = tpu.memref_squeeze %dma_wait3A_129 : memref<1x128xi32, #tpu.memory_space<vmem>> -> memref<128xi32, #tpu.memory_space<vmem>>
            %dma_wait3A_131 = arith.constant 0 : i32
            %dma_wait3A_132 = arith.constant 0 : i32
            %dma_wait3A_133 = tpu.memref_slice %arg9[%dma_wait3A_131, %dma_wait3A_132] : memref<10000x32xbf16, #tpu.memory_space<vmem_shared>> -> memref<10000x32xbf16, #tpu.memory_space<vmem_shared>>
            tpu.wait_indirect_dma semaphore(%run_scoped3A_122 : memref<!tpu.dma_semaphore, #tpu.memory_space<semaphore_mem>>) src(%arg7 : memref<128x32xbf16, #tpu.memory_space<vmem>>) dst(%dma_wait3A_133 : memref<10000x32xbf16, #tpu.memory_space<vmem_shared>>)
            tpu.yield
          }) : () -> ()
        } else {
        }
        %sub3A_104 = arith.constant 1 : i32
        %sub3A_105 = arith.subi %sub3A_104, %select_n3A_82 : i32
        %eq3A_106 = arith.constant 1 : i32
        %eq3A_107 = arith.cmpi eq, %sub3A_105, %eq3A_106 : i32
        %convert_element_type3A_108 = arith.extui %eq3A_107 : i1 to i32
        %cond3A_109 = arith.constant 0 : i32
        %cond3A_110 = arith.cmpi ne, %convert_element_type3A_108, %cond3A_109 : i32
        scf.if %cond3A_110 {
          %add3A_111 = arith.addi %add3A, %while3A_66 : i32
          %sub3A_112 = arith.constant 1 : i32
          %sub3A_113 = arith.subi %add3A_111, %sub3A_112 : i32
          %mul3A_114 = arith.constant 128 : i32
          %mul3A_115 = arith.muli %sub3A_113, %mul3A_114 : i32
          %dma_wait3A = arith.constant 0 : i32
          %dma_wait3A_116 = tpu.memref_slice %arg2[%mul3A_115, %dma_wait3A] : memref<160000x32xbf16, #tpu.memory_space<hbm>> -> memref<128x32xbf16, #tpu.memory_space<hbm>>
          %dma_wait3A_117 = arith.constant 0 : i32
          %dma_wait3A_118 = tpu.memref_slice %arg2[%mul3A_115, %dma_wait3A_117] : memref<160000x32xbf16, #tpu.memory_space<hbm>> -> memref<128x32xbf16, #tpu.memory_space<hbm>>
          tpu.wait_dma2 semaphore(%arg11 : memref<!tpu.dma_semaphore, #tpu.memory_space<semaphore_mem>>) src(%dma_wait3A_118 : memref<128x32xbf16, #tpu.memory_space<hbm>>) dst(%arg8 : memref<128x32xbf16, #tpu.memory_space<vmem>>)
          %add3A_119 = arith.addi %sub3A, %while3A_66 : i32
          %sub3A_120 = arith.constant 1 : i32
          %sub3A_121 = arith.subi %add3A_119, %sub3A_120 : i32
          "tpu.region"() ({
            %run_scoped3A_122 = tpu.sem_alloc : memref<!tpu.dma_semaphore, #tpu.memory_space<semaphore_mem>>
            %dma_start3A = arith.constant 0 : i32
            %dma_start3A_123 = tpu.memref_slice %arg6[%sub3A_121, %dma_start3A] : memref<79x128xi32, #tpu.memory_space<vmem>> -> memref<1x128xi32, #tpu.memory_space<vmem>>
            %dma_start3A_124 = tpu.memref_squeeze %dma_start3A_123 : memref<1x128xi32, #tpu.memory_space<vmem>> -> memref<128xi32, #tpu.memory_space<vmem>>
            %dma_start3A_125 = arith.constant 0 : i32
            %dma_start3A_126 = arith.constant 0 : i32
            %dma_start3A_127 = tpu.memref_slice %arg9[%dma_start3A_125, %dma_start3A_126] : memref<10000x32xbf16, #tpu.memory_space<vmem_shared>> -> memref<10000x32xbf16, #tpu.memory_space<vmem_shared>>
            tpu.enqueue_indirect_dma source(%arg8 : memref<128x32xbf16, #tpu.memory_space<vmem>>) target(%dma_start3A_127 : memref<10000x32xbf16, #tpu.memory_space<vmem_shared>>) offsets(%dma_start3A_124 : memref<128xi32, #tpu.memory_space<vmem>>) semaphore(%run_scoped3A_122 : memref<!tpu.dma_semaphore, #tpu.memory_space<semaphore_mem>>) {add = true}
            %dma_wait3A_128 = arith.constant 0 : i32
            %dma_wait3A_129 = tpu.memref_slice %arg6[%sub3A_121, %dma_wait3A_128] : memref<79x128xi32, #tpu.memory_space<vmem>> -> memref<1x128xi32, #tpu.memory_space<vmem>>
            %dma_wait3A_130 = tpu.memref_squeeze %dma_wait3A_129 : memref<1x128xi32, #tpu.memory_space<vmem>> -> memref<128xi32, #tpu.memory_space<vmem>>
            %dma_wait3A_131 = arith.constant 0 : i32
            %dma_wait3A_132 = arith.constant 0 : i32
            %dma_wait3A_133 = tpu.memref_slice %arg9[%dma_wait3A_131, %dma_wait3A_132] : memref<10000x32xbf16, #tpu.memory_space<vmem_shared>> -> memref<10000x32xbf16, #tpu.memory_space<vmem_shared>>
            tpu.wait_indirect_dma semaphore(%run_scoped3A_122 : memref<!tpu.dma_semaphore, #tpu.memory_space<semaphore_mem>>) src(%arg8 : memref<128x32xbf16, #tpu.memory_space<vmem>>) dst(%dma_wait3A_133 : memref<10000x32xbf16, #tpu.memory_space<vmem_shared>>)
            tpu.yield
          }) : () -> ()
        } else {
        }
      } else {
      }
    }
    %sub3A_21 = arith.constant 1 : i32
    %sub3A_22 = arith.subi %add3A_9, %sub3A_21 : i32
    %jit3A_23 = arith.constant 2 : i32
    %eq3A = arith.constant 0 : i32
    %eq3A_24 = arith.cmpi eq, %jit3A_23, %eq3A : i32
    %jit3A_25 = arith.constant 1 : i32
    %select_n3A_26 = arith.select %eq3A_24, %jit3A_25, %jit3A_23 : i32
    %rem3A = arith.remsi %sub3A_22, %select_n3A_26 : i32
    %ne3A = arith.constant 0 : i32
    %ne3A_27 = arith.cmpi ne, %rem3A, %ne3A : i32
    %lt3A_28 = arith.constant 0 : i32
    %lt3A_29 = arith.cmpi slt, %rem3A, %lt3A_28 : i32
    %lt3A_30 = arith.constant 0 : i32
    %lt3A_31 = arith.cmpi slt, %select_n3A_26, %lt3A_30 : i32
    %ne3A_32 = arith.xori %lt3A_29, %lt3A_31 : i1
    %and3A = arith.andi %ne3A_32, %ne3A_27 : i1
    %add3A_33 = arith.addi %rem3A, %select_n3A_26 : i32
    %select_n3A_34 = arith.select %and3A, %add3A_33, %rem3A : i32
    %eq3A_35 = arith.constant 0 : i32
    %eq3A_36 = arith.cmpi eq, %select_n3A_34, %eq3A_35 : i32
    %convert_element_type3A = arith.extui %eq3A_36 : i1 to i32
    %cond3A = arith.constant 0 : i32
    %cond3A_37 = arith.cmpi ne, %convert_element_type3A, %cond3A : i32
    scf.if %cond3A_37 {
      %add3A_66 = arith.addi %add3A, %add3A_9 : i32
      %sub3A_67 = arith.constant 1 : i32
      %sub3A_68 = arith.subi %add3A_66, %sub3A_67 : i32
      %mul3A_69 = arith.constant 128 : i32
      %mul3A_70 = arith.muli %sub3A_68, %mul3A_69 : i32
      %dma_wait3A = arith.constant 0 : i32
      %dma_wait3A_71 = tpu.memref_slice %arg2[%mul3A_70, %dma_wait3A] : memref<160000x32xbf16, #tpu.memory_space<hbm>> -> memref<128x32xbf16, #tpu.memory_space<hbm>>
      %dma_wait3A_72 = arith.constant 0 : i32
      %dma_wait3A_73 = tpu.memref_slice %arg2[%mul3A_70, %dma_wait3A_72] : memref<160000x32xbf16, #tpu.memory_space<hbm>> -> memref<128x32xbf16, #tpu.memory_space<hbm>>
      tpu.wait_dma2 semaphore(%arg10 : memref<!tpu.dma_semaphore, #tpu.memory_space<semaphore_mem>>) src(%dma_wait3A_73 : memref<128x32xbf16, #tpu.memory_space<hbm>>) dst(%arg7 : memref<128x32xbf16, #tpu.memory_space<vmem>>)
      %add3A_74 = arith.addi %sub3A, %add3A_9 : i32
      %sub3A_75 = arith.constant 1 : i32
      %sub3A_76 = arith.subi %add3A_74, %sub3A_75 : i32
      "tpu.region"() ({
        %run_scoped3A_77 = tpu.sem_alloc : memref<!tpu.dma_semaphore, #tpu.memory_space<semaphore_mem>>
        %dma_start3A = arith.constant 0 : i32
        %dma_start3A_78 = tpu.memref_slice %arg6[%sub3A_76, %dma_start3A] : memref<79x128xi32, #tpu.memory_space<vmem>> -> memref<1x128xi32, #tpu.memory_space<vmem>>
        %dma_start3A_79 = tpu.memref_squeeze %dma_start3A_78 : memref<1x128xi32, #tpu.memory_space<vmem>> -> memref<128xi32, #tpu.memory_space<vmem>>
        %dma_start3A_80 = arith.constant 0 : i32
        %dma_start3A_81 = arith.constant 0 : i32
        %dma_start3A_82 = tpu.memref_slice %arg9[%dma_start3A_80, %dma_start3A_81] : memref<10000x32xbf16, #tpu.memory_space<vmem_shared>> -> memref<10000x32xbf16, #tpu.memory_space<vmem_shared>>
        tpu.enqueue_indirect_dma source(%arg7 : memref<128x32xbf16, #tpu.memory_space<vmem>>) target(%dma_start3A_82 : memref<10000x32xbf16, #tpu.memory_space<vmem_shared>>) offsets(%dma_start3A_79 : memref<128xi32, #tpu.memory_space<vmem>>) semaphore(%run_scoped3A_77 : memref<!tpu.dma_semaphore, #tpu.memory_space<semaphore_mem>>) {add = true}
        %dma_wait3A_83 = arith.constant 0 : i32
        %dma_wait3A_84 = tpu.memref_slice %arg6[%sub3A_76, %dma_wait3A_83] : memref<79x128xi32, #tpu.memory_space<vmem>> -> memref<1x128xi32, #tpu.memory_space<vmem>>
        %dma_wait3A_85 = tpu.memref_squeeze %dma_wait3A_84 : memref<1x128xi32, #tpu.memory_space<vmem>> -> memref<128xi32, #tpu.memory_space<vmem>>
        %dma_wait3A_86 = arith.constant 0 : i32
        %dma_wait3A_87 = arith.constant 0 : i32
        %dma_wait3A_88 = tpu.memref_slice %arg9[%dma_wait3A_86, %dma_wait3A_87] : memref<10000x32xbf16, #tpu.memory_space<vmem_shared>> -> memref<10000x32xbf16, #tpu.memory_space<vmem_shared>>
        tpu.wait_indirect_dma semaphore(%run_scoped3A_77 : memref<!tpu.dma_semaphore, #tpu.memory_space<semaphore_mem>>) src(%arg7 : memref<128x32xbf16, #tpu.memory_space<vmem>>) dst(%dma_wait3A_88 : memref<10000x32xbf16, #tpu.memory_space<vmem_shared>>)
        tpu.yield
      }) : () -> ()
    } else {
    }
    %sub3A_38 = arith.constant 1 : i32
    %sub3A_39 = arith.subi %add3A_9, %sub3A_38 : i32
    %jit3A_40 = arith.constant 2 : i32
    %eq3A_41 = arith.constant 0 : i32
    %eq3A_42 = arith.cmpi eq, %jit3A_40, %eq3A_41 : i32
    %jit3A_43 = arith.constant 1 : i32
    %select_n3A_44 = arith.select %eq3A_42, %jit3A_43, %jit3A_40 : i32
    %rem3A_45 = arith.remsi %sub3A_39, %select_n3A_44 : i32
    %ne3A_46 = arith.constant 0 : i32
    %ne3A_47 = arith.cmpi ne, %rem3A_45, %ne3A_46 : i32
    %lt3A_48 = arith.constant 0 : i32
    %lt3A_49 = arith.cmpi slt, %rem3A_45, %lt3A_48 : i32
    %lt3A_50 = arith.constant 0 : i32
    %lt3A_51 = arith.cmpi slt, %select_n3A_44, %lt3A_50 : i32
    %ne3A_52 = arith.xori %lt3A_49, %lt3A_51 : i1
    %and3A_53 = arith.andi %ne3A_52, %ne3A_47 : i1
    %add3A_54 = arith.addi %rem3A_45, %select_n3A_44 : i32
    %select_n3A_55 = arith.select %and3A_53, %add3A_54, %rem3A_45 : i32
    %eq3A_56 = arith.constant 1 : i32
    %eq3A_57 = arith.cmpi eq, %select_n3A_55, %eq3A_56 : i32
    %convert_element_type3A_58 = arith.extui %eq3A_57 : i1 to i32
    %cond3A_59 = arith.constant 0 : i32
    %cond3A_60 = arith.cmpi ne, %convert_element_type3A_58, %cond3A_59 : i32
    scf.if %cond3A_60 {
      %add3A_66 = arith.addi %add3A, %add3A_9 : i32
      %sub3A_67 = arith.constant 1 : i32
      %sub3A_68 = arith.subi %add3A_66, %sub3A_67 : i32
      %mul3A_69 = arith.constant 128 : i32
      %mul3A_70 = arith.muli %sub3A_68, %mul3A_69 : i32
      %dma_wait3A = arith.constant 0 : i32
      %dma_wait3A_71 = tpu.memref_slice %arg2[%mul3A_70, %dma_wait3A] : memref<160000x32xbf16, #tpu.memory_space<hbm>> -> memref<128x32xbf16, #tpu.memory_space<hbm>>
      %dma_wait3A_72 = arith.constant 0 : i32
      %dma_wait3A_73 = tpu.memref_slice %arg2[%mul3A_70, %dma_wait3A_72] : memref<160000x32xbf16, #tpu.memory_space<hbm>> -> memref<128x32xbf16, #tpu.memory_space<hbm>>
      tpu.wait_dma2 semaphore(%arg11 : memref<!tpu.dma_semaphore, #tpu.memory_space<semaphore_mem>>) src(%dma_wait3A_73 : memref<128x32xbf16, #tpu.memory_space<hbm>>) dst(%arg8 : memref<128x32xbf16, #tpu.memory_space<vmem>>)
      %add3A_74 = arith.addi %sub3A, %add3A_9 : i32
      %sub3A_75 = arith.constant 1 : i32
      %sub3A_76 = arith.subi %add3A_74, %sub3A_75 : i32
      "tpu.region"() ({
        %run_scoped3A_77 = tpu.sem_alloc : memref<!tpu.dma_semaphore, #tpu.memory_space<semaphore_mem>>
        %dma_start3A = arith.constant 0 : i32
        %dma_start3A_78 = tpu.memref_slice %arg6[%sub3A_76, %dma_start3A] : memref<79x128xi32, #tpu.memory_space<vmem>> -> memref<1x128xi32, #tpu.memory_space<vmem>>
        %dma_start3A_79 = tpu.memref_squeeze %dma_start3A_78 : memref<1x128xi32, #tpu.memory_space<vmem>> -> memref<128xi32, #tpu.memory_space<vmem>>
        %dma_start3A_80 = arith.constant 0 : i32
        %dma_start3A_81 = arith.constant 0 : i32
        %dma_start3A_82 = tpu.memref_slice %arg9[%dma_start3A_80, %dma_start3A_81] : memref<10000x32xbf16, #tpu.memory_space<vmem_shared>> -> memref<10000x32xbf16, #tpu.memory_space<vmem_shared>>
        tpu.enqueue_indirect_dma source(%arg8 : memref<128x32xbf16, #tpu.memory_space<vmem>>) target(%dma_start3A_82 : memref<10000x32xbf16, #tpu.memory_space<vmem_shared>>) offsets(%dma_start3A_79 : memref<128xi32, #tpu.memory_space<vmem>>) semaphore(%run_scoped3A_77 : memref<!tpu.dma_semaphore, #tpu.memory_space<semaphore_mem>>) {add = true}
        %dma_wait3A_83 = arith.constant 0 : i32
        %dma_wait3A_84 = tpu.memref_slice %arg6[%sub3A_76, %dma_wait3A_83] : memref<79x128xi32, #tpu.memory_space<vmem>> -> memref<1x128xi32, #tpu.memory_space<vmem>>
        %dma_wait3A_85 = tpu.memref_squeeze %dma_wait3A_84 : memref<1x128xi32, #tpu.memory_space<vmem>> -> memref<128xi32, #tpu.memory_space<vmem>>
        %dma_wait3A_86 = arith.constant 0 : i32
        %dma_wait3A_87 = arith.constant 0 : i32
        %dma_wait3A_88 = tpu.memref_slice %arg9[%dma_wait3A_86, %dma_wait3A_87] : memref<10000x32xbf16, #tpu.memory_space<vmem_shared>> -> memref<10000x32xbf16, #tpu.memory_space<vmem_shared>>
        tpu.wait_indirect_dma semaphore(%run_scoped3A_77 : memref<!tpu.dma_semaphore, #tpu.memory_space<semaphore_mem>>) src(%arg8 : memref<128x32xbf16, #tpu.memory_space<vmem>>) dst(%dma_wait3A_88 : memref<10000x32xbf16, #tpu.memory_space<vmem_shared>>)
        tpu.yield
      }) : () -> ()
    } else {
    }
    %barrier3A_61 = arith.constant 0 : index
    tpu.barrier barrier_id(%barrier3A_61)
    %mul3A_62 = arith.constant 625 : i32
    %mul3A_63 = arith.muli %arg1, %mul3A_62 : i32
    %mul3A_64 = arith.constant 625 : i32
    %mul3A_65 = arith.muli %arg1, %mul3A_64 : i32
    "tpu.region"() ({
      %run_scoped3A_66 = tpu.sem_alloc : memref<!tpu.dma_semaphore, #tpu.memory_space<semaphore_mem>>
      %dma_start3A = arith.constant 0 : i32
      %dma_start3A_67 = tpu.memref_slice %arg5[%mul3A_65, %dma_start3A] : memref<10000x32xbf16, #tpu.memory_space<hbm>> -> memref<625x32xbf16, #tpu.memory_space<hbm>>
      %dma_start3A_68 = arith.constant 0 : i32
      %dma_start3A_69 = tpu.memref_slice %arg9[%mul3A_63, %dma_start3A_68] : memref<10000x32xbf16, #tpu.memory_space<vmem_shared>> -> memref<625x32xbf16, #tpu.memory_space<vmem_shared>>
      tpu.enqueue_dma source(%dma_start3A_69 : memref<625x32xbf16, #tpu.memory_space<vmem_shared>>) target(%dma_start3A_67 : memref<625x32xbf16, #tpu.memory_space<hbm>>) target_semaphore(%run_scoped3A_66 : memref<!tpu.dma_semaphore, #tpu.memory_space<semaphore_mem>>)
      %dma_wait3A = arith.constant 0 : i32
      %dma_wait3A_70 = tpu.memref_slice %arg5[%mul3A_65, %dma_wait3A] : memref<10000x32xbf16, #tpu.memory_space<hbm>> -> memref<625x32xbf16, #tpu.memory_space<hbm>>
      %dma_wait3A_71 = arith.constant 0 : i32
      %dma_wait3A_72 = tpu.memref_slice %arg9[%mul3A_63, %dma_wait3A_71] : memref<10000x32xbf16, #tpu.memory_space<vmem_shared>> -> memref<625x32xbf16, #tpu.memory_space<vmem_shared>>
      tpu.wait_dma2 semaphore(%run_scoped3A_66 : memref<!tpu.dma_semaphore, #tpu.memory_space<semaphore_mem>>) src(%dma_wait3A_72 : memref<625x32xbf16, #tpu.memory_space<vmem_shared>>) dst(%dma_wait3A_70 : memref<625x32xbf16, #tpu.memory_space<hbm>>)
      tpu.yield
    }) : () -> ()
    return
  }
}

module attributes {stable_mosaic.version = 14 : i64} {
  func.func @_transform_body(%arg0: i32, %arg1: memref<16x6400xf32, #tpu.memory_space<vmem>>, %arg2: memref<6400x32xbf16, #tpu.memory_space<vmem>>, %arg3: memref<32x512xbf16, #tpu.memory_space<vmem>>, %arg4: memref<512x32xbf16, #tpu.memory_space<vmem>>, %arg5: memref<32x32xbf16, #tpu.memory_space<vmem>>, %arg6: memref<6400x32xbf16, #tpu.memory_space<vmem>>) attributes {dimension_semantics = [#tpu.dimension_semantics<arbitrary>], iteration_bounds = array<i64: 25>, scalar_prefetch = 0 : i64, scratch_operands = 0 : i64, tpu.core_type = #tpu.core_type<tc>, window_params = [{transform_indices = @transform_0, window_bounds = array<i64: 16, 6400>}, {transform_indices = @transform_1, window_bounds = array<i64: 6400, 32>}, {pipeline_mode = #tpu.pipeline_mode<synchronous>, transform_indices = @transform_2, window_bounds = array<i64: 32, 512>}, {pipeline_mode = #tpu.pipeline_mode<synchronous>, transform_indices = @transform_3, window_bounds = array<i64: 512, 32>}, {pipeline_mode = #tpu.pipeline_mode<synchronous>, transform_indices = @transform_4, window_bounds = array<i64: 32, 32>}, {transform_indices = @transform_5, window_bounds = array<i64: 6400, 32>}]} {
    %get3A = arith.constant 0 : index
    %get3A_0 = arith.constant 0 : index
    %get3A_1 = vector.load %arg1[%get3A, %get3A_0] : memref<16x6400xf32, #tpu.memory_space<vmem>>, vector<16x6400xf32>
    %convert_element_type3A = arith.truncf %get3A_1 : vector<16x6400xf32> to vector<16x6400xbf16>
    %transpose3A = tpu.transpose %convert_element_type3A, [1, 0] : vector<16x6400xbf16> -> vector<6400x16xbf16>
    %get3A_2 = arith.constant 0 : index
    %get3A_3 = arith.constant 0 : index
    %get3A_4 = vector.load %arg2[%get3A_2, %get3A_3] : memref<6400x32xbf16, #tpu.memory_space<vmem>>, vector<6400x32xbf16>
    %tile3A = tpu.concatenate %transpose3A, %transpose3A, %transpose3A, %transpose3A, %transpose3A, %transpose3A, %transpose3A, %transpose3A, %transpose3A, %transpose3A, %transpose3A, %transpose3A, %transpose3A, %transpose3A, %transpose3A, %transpose3A, %transpose3A, %transpose3A, %transpose3A, %transpose3A, %transpose3A, %transpose3A, %transpose3A, %transpose3A, %transpose3A, %transpose3A, %transpose3A, %transpose3A, %transpose3A, %transpose3A, %transpose3A, %transpose3A in 1 : vector<6400x16xbf16>, vector<6400x16xbf16>, vector<6400x16xbf16>, vector<6400x16xbf16>, vector<6400x16xbf16>, vector<6400x16xbf16>, vector<6400x16xbf16>, vector<6400x16xbf16>, vector<6400x16xbf16>, vector<6400x16xbf16>, vector<6400x16xbf16>, vector<6400x16xbf16>, vector<6400x16xbf16>, vector<6400x16xbf16>, vector<6400x16xbf16>, vector<6400x16xbf16>, vector<6400x16xbf16>, vector<6400x16xbf16>, vector<6400x16xbf16>, vector<6400x16xbf16>, vector<6400x16xbf16>, vector<6400x16xbf16>, vector<6400x16xbf16>, vector<6400x16xbf16>, vector<6400x16xbf16>, vector<6400x16xbf16>, vector<6400x16xbf16>, vector<6400x16xbf16>, vector<6400x16xbf16>, vector<6400x16xbf16>, vector<6400x16xbf16>, vector<6400x16xbf16> -> vector<6400x512xbf16>
    %get3A_5 = arith.constant 0 : index
    %get3A_6 = arith.constant 0 : index
    %get3A_7 = vector.load %arg3[%get3A_5, %get3A_6] : memref<32x512xbf16, #tpu.memory_space<vmem>>, vector<32x512xbf16>
    %dot_general3A = arith.constant dense<0.000000e+00> : vector<6400x512xf32>
    %dot_general3A_8 = tpu.matmul %get3A_4, %get3A_7, %dot_general3A {dimension_numbers = #tpu.dot_dimension_numbers<[1], [0], [0], [1], [0, 0, 1, 1], [], []>, transpose_lhs_hint = false} : vector<6400x32xbf16>, vector<32x512xbf16>, vector<6400x512xf32> -> vector<6400x512xf32>
    %convert_element_type3A_9 = arith.truncf %dot_general3A_8 : vector<6400x512xf32> to vector<6400x512xbf16>
    %mul3A = arith.mulf %tile3A, %convert_element_type3A_9 : vector<6400x512xbf16>
    %get3A_10 = arith.constant 0 : index
    %get3A_11 = arith.constant 0 : index
    %get3A_12 = vector.load %arg4[%get3A_10, %get3A_11] : memref<512x32xbf16, #tpu.memory_space<vmem>>, vector<512x32xbf16>
    %dot_general3A_13 = arith.constant dense<0.000000e+00> : vector<6400x32xf32>
    %dot_general3A_14 = tpu.matmul %mul3A, %get3A_12, %dot_general3A_13 {dimension_numbers = #tpu.dot_dimension_numbers<[1], [0], [0], [1], [0, 0, 1, 1], [], []>, transpose_lhs_hint = false} : vector<6400x512xbf16>, vector<512x32xbf16>, vector<6400x32xf32> -> vector<6400x32xf32>
    %get3A_15 = arith.constant 0 : index
    %get3A_16 = arith.constant 0 : index
    %get3A_17 = vector.load %arg5[%get3A_15, %get3A_16] : memref<32x32xbf16, #tpu.memory_space<vmem>>, vector<32x32xbf16>
    %dot_general3A_18 = arith.constant dense<0.000000e+00> : vector<6400x32xf32>
    %dot_general3A_19 = tpu.matmul %get3A_4, %get3A_17, %dot_general3A_18 {dimension_numbers = #tpu.dot_dimension_numbers<[1], [0], [0], [1], [0, 0, 1, 1], [], []>, transpose_lhs_hint = false} : vector<6400x32xbf16>, vector<32x32xbf16>, vector<6400x32xf32> -> vector<6400x32xf32>
    %add3A = arith.addf %dot_general3A_14, %dot_general3A_19 : vector<6400x32xf32>
    %convert_element_type3A_20 = arith.truncf %add3A : vector<6400x32xf32> to vector<6400x32xbf16>
    %swap3A = arith.constant 0 : index
    %swap3A_21 = arith.constant 0 : index
    %swap3A_22 = vector.load %arg6[%swap3A, %swap3A_21] : memref<6400x32xbf16, #tpu.memory_space<vmem>>, vector<6400x32xbf16>
    tpu.vector_store %arg6[%swap3A, %swap3A_21], %convert_element_type3A_20 {strides = array<i32>} : memref<6400x32xbf16, #tpu.memory_space<vmem>>, vector<6400x32xbf16>,
    return
  }
  func.func @transform_0(%arg0: i32) -> (i32, i32) {
    %c0_i32 = arith.constant 0 : i32
    %c0_i32_0 = arith.constant 0 : i32
    return %c0_i32, %arg0 : i32, i32
  }
  func.func @transform_1(%arg0: i32) -> (i32, i32) {
    %c0_i32 = arith.constant 0 : i32
    %c0_i32_0 = arith.constant 0 : i32
    return %arg0, %c0_i32 : i32, i32
  }
  func.func @transform_2(%arg0: i32) -> (i32, i32) {
    %c0_i32 = arith.constant 0 : i32
    %c0_i32_0 = arith.constant 0 : i32
    %c0_i32_1 = arith.constant 0 : i32
    return %c0_i32, %c0_i32_0 : i32, i32
  }
  func.func @transform_3(%arg0: i32) -> (i32, i32) {
    %c0_i32 = arith.constant 0 : i32
    %c0_i32_0 = arith.constant 0 : i32
    %c0_i32_1 = arith.constant 0 : i32
    return %c0_i32, %c0_i32_0 : i32, i32
  }
  func.func @transform_4(%arg0: i32) -> (i32, i32) {
    %c0_i32 = arith.constant 0 : i32
    %c0_i32_0 = arith.constant 0 : i32
    %c0_i32_1 = arith.constant 0 : i32
    return %c0_i32, %c0_i32_0 : i32, i32
  }
  func.func @transform_5(%arg0: i32) -> (i32, i32) {
    %c0_i32 = arith.constant 0 : i32
    %c0_i32_0 = arith.constant 0 : i32
    return %arg0, %c0_i32 : i32, i32
  }
}

</mosaic_0001>

<sc_bundles>
// kernel: kernel.6.cloned.1.call-start
scs
__scs_entry_jumppad:
0x0: {  	(pc) =	sbr.rel $0x88, $3  }
0x1: {  	(tag) =	ssettag $0x0;
	lr =	simm.s32 $0x1  }
0x2: {  	[smem:$0x3F9C] =	sst lr;
	_ =	strace $0xD0000000  }
0x3: {  	_ = 	snop  }
0x4: {  	_ = 	snop  }
0x5: {  	_ = 	snop  }
0x6: {  	_ = 	snop  }
0x7: {  	_ = 	snop  }
__scs_overlays_trampoline_lowered:
0x8: {  	[smem:$0x3FAB] =	sst s0  }
0x9: {  	[smem:$0x3FAC] =	sst s1  }
0xa: {  	[smem:$0x3FAD] =	sst s2  }
0xb: {  	[smem:$0x3FAE] =	sst s3  }
0xc: {  	[smem:$0x3FAF] =	sst s4  }
0xd: {  	[smem:$0x3FB0] =	sst s5  }
0xe: {  	[smem:$0x3FB1] =	sst s6  }
0xf: {  	[smem:$0x3FB2] =	sst s7  }
0x10: {  	[smem:$0x3FB3] =	sst s8  }
0x11: {  	[smem:$0x3FB4] =	sst s9;
	s0 =	simm.s32 @!p0 $0x0  }
0x12: {  	s1 =	sld [smem:$0x3F9A];
	s0 =	simm.s32 @p0 $0x1  }
0x13: {  	[smem:$0x3FB5] =	sst s0;
	s0 =	simm.s32 @!p1 $0x0  }
0x14: {  	s2 =	sld [smem:$0x3F99];
	s0 =	simm.s32 @p1 $0x1  }
0x15: {  	[smem:$0x3FB6] =	sst s0;
	s0 =	simm.s32 @!p2 $0x0  }
0x16: {  	s3 =	sld [smem:$0x3FDB];
	s0 =	simm.s32 @p2 $0x1  }
0x17: {  	s4 =	simm.s32 $0x1BF5;
	[smem:$0x3FB8] =	sst s0  }
0x18: {  	s0 =	sld [smem:$0x3F9B];
	_ =	swait.ge [sflag:s4], $0x0  }
0x19: {  	s7 =	sld [smem:$0x3F9C]  }
0x1a: {  	s8 =	sadd.s32 $0xFFFFE003, lr  }
0x1b: {  	s9 =	sadd.s32 $0xFFFFFEF7, lr;
	s5 =	simm.s32 $0xFFFFFFFF;
	p2 =	slt.u32 s8, $0xFFFFF086  }
0x1c: {  	p1 =	slt.u32 s9, $0xF7A;
	s5 =	simm.s32 @!p2 $0x0  }
0x1d: {  	s5 =	simm.s32 @p1 $0x1;
	p0 =	seq.s32 s7, s2  }
0x1e: {  	s7 =	smul.u32 @!p0 $0xF7A, s2;
	p2 =	seq.s32 @!p0 s5, $0x0  }
0x1f: {  	s9 =	smul.u32 $0xF7A, s1;
	s8 =	simm.s32 @!p0 $0x1BF5;
	p2 =	por !p2, p0  }
0x20: {  	[sflag:s8] =	ssyncset.s32 @!p0 $0xFFFFF086;
	s6 =	sadd.s32 @!p0 s3, s7;
	s7 =	simm.s32 @!p0 $0x108  }
0x21: {  	s3 =	sadd.s32 s3, s9;
	s6 =	sadd.s32 @!p0 $0x88, s6;
	s7 =	simm.s32 @p2 $0x1082  }
0x22: {  	[simem:s7], [sflag:s8] =	dma.local @!p0 [hbm:s6], $0xF7A  }
0x23: {  	s9 =	sor.u32 $0xD0000000, s2;
	s6 =	simm.s32 $0x108;
	_ =	swait.ge @!p0 [sflag:s8], $0x0  }
0x24: {  	s3 =	sadd.s32 $0x88, s3;
	s6 =	simm.s32 @!p1 $0x1082;
	[sflag:s4] =	ssyncset.s32 $0xFFFFF086  }
0x25: {  	[simem:s6], [sflag:s4] =	dma.local [hbm:s3], $0xF7A  }
0x26: {  	[smem:$0x3F9C] =	sst s1;
	(tag) =	ssettag s2;
	_ =	strace s9  }
0x27: {  	s1 =	sld [smem:$0x3FAC]  }
0x28: {  	s2 =	sld [smem:$0x3FAD]  }
0x29: {  	s4 =	sld [smem:$0x3FAF]  }
0x2a: {  	p0 =	seq.s32 s5, $0x0;
	s5 =	sld [smem:$0x3FB0]  }
0x2b: {  	s6 =	sld [smem:$0x3FB1]  }
0x2c: {  	s7 =	sld [smem:$0x3FB2]  }
0x2d: {  	s3 =	simm.s32 $0x108;
	s8 =	sld [smem:$0x3FB3]  }
0x2e: {  	s3 =	simm.s32 @!p0 $0x1082;
	s9 =	sld [smem:$0x3FB4]  }
0x2f: {  	lr =	sadd.s32 s0, s3;
	s0 =	sld [smem:$0x3FAB]  }
0x30: {  	s3 =	sld [smem:$0x3FAE]  }
0x31: {  	[smem:$0x3FB7] =	sst s10  }
0x32: {  	s10 =	sld [smem:$0x3FB5];
	_ =	sdelay $0x3  }
0x33: {  	p0 =	seq.s32 s10, $0x1;
	s10 =	sld [smem:$0x3FB7];
	_ =	sdelay $0x3  }
0x34: {  	[smem:$0x3FB7] =	sst s10  }
0x35: {  	s10 =	sld [smem:$0x3FB6];
	_ =	sdelay $0x3  }
0x36: {  	p1 =	seq.s32 s10, $0x1;
	s10 =	sld [smem:$0x3FB7];
	_ =	sdelay $0x3  }
0x37: {  	[smem:$0x3FB7] =	sst s10  }
0x38: {  	s10 =	sld [smem:$0x3FB8]  }
0x39: {  	_ = 	snop;
	(pc) =	sbr.ind lr, $3  }
0x3a: {  	_ = 	snop  }
0x3b: {  	_ = 	snop  }
0x3c: {  	p2 =	seq.s32 s10, $0x1;
	s10 =	sld [smem:$0x3FB7]  }
0x3d: {  	_ =	shalt  }
0x3e: {  	_ =	shalt  }
0x3f: {  	_ =	shalt  }
0x40: {  	_ =	shalt  }
0x41: {  	_ =	shalt  }
0x42: {  	_ =	shalt  }
0x43: {  	_ =	shalt  }
0x44: {  	_ =	shalt  }
0x45: {  	_ =	shalt  }
0x46: {  	_ =	shalt  }
0x47: {  	_ =	shalt  }
0x48: {  	_ =	shalt  }
0x49: {  	_ =	shalt  }
0x4a: {  	_ =	shalt  }
0x4b: {  	_ =	shalt  }
0x4c: {  	_ =	shalt  }
0x4d: {  	_ =	shalt  }
0x4e: {  	_ =	shalt  }
0x4f: {  	_ =	shalt  }
0x50: {  	_ =	shalt  }
0x51: {  	_ =	shalt  }
0x52: {  	_ =	shalt  }
0x53: {  	_ =	shalt  }
0x54: {  	_ =	shalt  }
0x55: {  	_ =	shalt  }
0x56: {  	_ =	shalt  }
0x57: {  	_ =	shalt  }
0x58: {  	_ =	shalt  }
0x59: {  	_ =	shalt  }
0x5a: {  	_ =	shalt  }
0x5b: {  	_ =	shalt  }
0x5c: {  	_ =	shalt  }
0x5d: {  	_ =	shalt  }
0x5e: {  	_ =	shalt  }
0x5f: {  	_ =	shalt  }
0x60: {  	_ =	shalt  }
0x61: {  	_ =	shalt  }
0x62: {  	_ =	shalt  }
0x63: {  	_ =	shalt  }
0x64: {  	_ =	shalt  }
0x65: {  	_ =	shalt  }
0x66: {  	_ =	shalt  }
0x67: {  	_ =	shalt  }
0x68: {  	_ =	shalt  }
0x69: {  	_ =	shalt  }
0x6a: {  	_ =	shalt  }
0x6b: {  	_ =	shalt  }
0x6c: {  	_ =	shalt  }
0x6d: {  	_ =	shalt  }
0x6e: {  	_ =	shalt  }
0x6f: {  	_ =	shalt  }
0x70: {  	_ =	shalt  }
0x71: {  	_ =	shalt  }
0x72: {  	_ =	shalt  }
0x73: {  	_ =	shalt  }
0x74: {  	_ =	shalt  }
0x75: {  	_ =	shalt  }
0x76: {  	_ =	shalt  }
0x77: {  	_ =	shalt  }
0x78: {  	_ =	shalt  }
0x79: {  	_ =	shalt  }
0x7a: {  	_ =	shalt  }
0x7b: {  	_ =	shalt  }
0x7c: {  	_ =	shalt  }
0x7d: {  	_ =	shalt  }
0x7e: {  	_ =	shalt  }
0x7f: {  	_ =	shalt  }
0x80: {  	_ =	shalt  }
0x81: {  	_ =	shalt  }
0x82: {  	_ =	shalt  }
0x83: {  	_ =	shalt  }
0x84: {  	_ =	shalt  }
0x85: {  	_ =	shalt  }
0x86: {  	_ =	shalt  }
0x87: {  	_ =	shalt  }
.Lfunc_end0:
.L_simem_size_0:
called_computation_lowered:
.L_overlay_start_0:
0x88: {  	s2 =	sld [smem:$0x3FD9]  }
0x89: {  	s3 =	sld [smem:$0x3FFE];
	_ =	sdelay $0x1  }
0x8a: {  	s1 =	srdreg.scid  }
0x8b: {  	s0 =	sand.u32 $0x1, s1  }
0x8c: {  	s17 =	sshll.u32 s0, $0xA;
	s2 =	sadd.s32 s3, s2  }
0x8d: {  	s2 =	sadd.s32 s2, s17  }
0x8e: {  	[smem:$0x3FC3] =	sst s2  }
0x8f: {  	_ = 	snop  }
0x90: {  	s2 =	sld [smem:$0x3FD0];
	(tm) =	ssettm $0x1  }
0x91: {  	s18 =	sld [smem:$0x3FFB];
	_ =	sdelay $0x3  }
0x92: {  	_ =	strace s18  }
0x93: {  	s3 =	sld [smem:$0x3FFC];
	_ =	sdelay $0x3  }
0x94: {  	_ =	strace s3  }
0x95: {  	s3 =	sld [smem:$0x3FFD];
	_ =	sdelay $0x3  }
0x96: {  	_ =	strace s3  }
0x97: {  	_ =	strace $0x8FFFFFFF  }
0x98: {  	s19 =	sld [smem:$0x3FDB];
	_ =	sdelay $0x1  }
0x99: {  	s4 =	simm.s32 $_scs_section_size  }
0x9a: {  	s5 =	simm.s32 $_size__tile_overlayer_lowered;
	s6 =	simm.s32 $_tile_overlayer_lowered  }
0x9b: {  	s22 =	simm.s32 $0x1BFF;
	s21 =	sshll.u32 s6, $0x1;
	s3 =	sadd.s32 s4, s19  }
0x9c: {  	s7 =	simm.s32 $0x0;
	s20 =	sshll.u32 s5, $0x1;
	s5 =	sadd.s32 s21, s3  }
0x9d: {  	[timem:s7], [sflag:s22] =	dma.local [hbm:s5], s20  }
0x9e: {  	_ =	swait.ge [sflag:s22], s20  }
0x9f: {  	s4 =	ssub.s32 $0x0, s20;
	[sflag:s22] =	ssyncset.done $0x0  }
0xa0: {  	[sflag:s22] =	ssyncadd.s32 s4;
	_ =	sdelay $0x1  }
0xa1: {  	s23 =	simm.s32 $0x1B8B  }
0xa2: {  	_ =	swait.ge [sflag:s23], $0x1  }
0xa3: {  	[sflag:s23] =	ssyncset.done $0x0  }
0xa4: {  	s25 =	simm.s32 $0x1B8E;
	s24 =	sld [smem:$0x3FFE];
	[sflag:s23] =	ssyncadd.s32 $0xFFFFFFFF  }
0xa5: {  	s26 =	simm.s32 $execute0_lowered;
	[smem:$0x3FD2] =	sst s25  }
0xa6: {  	s5 =	sshll.u32 s26, $0x1;
	_ =	strace $0x80000046;
	[dreg:$0x1] =	wrdreg $0xFFFFFFFF  }
0xa7: {  	s28 =	simm.s32 $_size_execute0_lowered;
	s3 =	sadd.s32 s3, s5;
	[dreg:$0x0] =	wrdreg $0x0  }
0xa8: {  	s5 =	sshll.u32 s28, $0x1;
	[dreg:$0x2] =	wrdreg s3  }
0xa9: {  	[dreg:$0x3] =	wrdreg s5  }
0xaa: {  	[dreg:$0x4] =	wrdreg $0xC0  }
0xab: {  	_ =	task [dreg:s7], $0x5FFFF  }
0xac: {  	[dreg:$0x1] =	wrdreg $0xFFFFFFFF  }
0xad: {  	[dreg:$0x0] =	wrdreg $0x60  }
0xae: {  	[dreg:$0x2] =	wrdreg s24  }
0xaf: {  	[dreg:$0x3] =	wrdreg s2  }
0xb0: {  	[dreg:$0x4] =	wrdreg $0x9  }
0xb1: {  	_ =	task.clear_ibuf [dreg:s7], $0x5FFFF;
	_ =	strace $0x90000046  }
0xb2: {  	s29 =	simm.s32 $0x9;
	_ =	strace $0x80000048  }
0xb3: {  	_ =	swait.ge [sflag:s29], $0x1  }
0xb4: {  	[sflag:s29] =	ssyncadd.s32 $0xFFFFFFFF  }
0xb5: {  	_ =	strace $0x90000048  }
0xb6: {  	_ =	sfence  }
0xb7: {  	s30 =	sld [smem:$0x0];
	_ =	sdelay $0x2  }
0xb8: {  	s31 =	sshll.u32 s1, $0xD;
	s1 =	sshrl.u32 s1, $0x2  }
0xb9: {  	s3 =	sand.u32 $0x4000, s31;
	s1 =	sadd.s32 s1, s30  }
0xba: {  	s0 =	sor.u32 s3, s0;
	s1 =	sshll.u32 s1, $0x11  }
0xbb: {  	s0 =	sor.u32 s1, s0  }
0xbc: {  	s0 =	sadd.s32 $0x8F2B, s0  }
0xbd: {  	[sflag:s0] =	ssyncadd.remote.s32 $0x1  }
0xbe: {  	_ =	sfence.sel $0xFFFF  }
0xbf: {  	[dreg:$0x0] =	wrdreg $0xFFFFFFFF;
	(pc) =	sbr.abs _section_cstart, $3  }
0xc0: {  	[dreg:$0x1] =	wrdreg $0xFFFFFFFF  }
0xc1: {  	_ =	task.clear_ibuf [dreg:s7], $0x2FFFF;
	_ =	strace $0x9FFFFFFF  }
0xc2: {  	(tm) =	ssettm $0x7FFFFFFF  }
0xc3: {  	_ =	shalt  }
tec
execute0_lowered:
.L_overlay_start_1:
0x0: {  	(tag) =	ssettag $0x1  }
0x1: {  	s4 =	rddreg [dreg:$0x0];
	s0 =	stileid.u32  }
0x2: {  	s1 =	srdreg.scid;
	s14 =	smul.u32 $0x9C00, s0  }
0x3: {  	s5 =	rddreg [dreg:$0x1];
	s2 =	simm.s32 $0x0;
	s16 =	smul.u32 $0x4E, s0  }
0x4: {  	s10 =	sand.u32 $0x1, s1;
	s1 =	rddreg [dreg:$0x2];
	s28 =	smul.u32 $0x4E000, s0  }
0x5: {  	s3 =	sshll.u32 s0, $0x1;
	[smem:$0x7FF] =	sst s2;
	s15 =	smul.u32 $0x4E00, s10  }
0x6: {  	s12 =	sadd.s32 $0x6A00, s4;
	p0 =	seq.s32 s0, $0x0;
	s25 =	smul.u32 $0x27, s10  }
0x7: {  	s3 =	sor.u32 s10, s3;
	s7 =	ssub.s32 $0x2, s10;
	s10 =	smul.u32 $0x27000, s10  }
0x8: {  	_ =	strace $0x80000047;
	s6 =	smul.u32 $0x27, s3;
	s11 =	smin.u32 s3, $0x2  }
0x9: {  	s3 =	sadd.s32 $0x1A00, s4;
	s8 =	sshrl.u32 s7, $0x1;
	s4 =	simm.s32 $0x28  }
0xa: {  	s7 =	ssub.s32 s7, s8;
	s4 =	simm.s32 @!p0 $0x27;
	s8 =	simm.s32 $0x2  }
0xb: {  	s14 =	sadd.s32 s15, s14;
	s26 =	sadd.s32 s16, s11;
	s6 =	sadd.s32 s11, s6  }
0xc: {  	s29 =	sshll.u32 s11, $0x9;
	s30 =	sadd.s32 s10, s28;
	s9 =	smin.u32 s6, $0x4BA  }
0xd: {  	s10 =	simm.s32 $0x1C00;
	s15 =	simm.s32 $0x1400;
	s13 =	sshll.u32 s9, $0x4  }
0xe: {  	s16 =	simm.s32 $0x0;
	s5 =	sadd.s32 s13, s5;
	s13 =	simm.s32 $0x2700  }
0xf: {  	s8 =	simm.s32 @!p0 $0x1;
	s14 =	sadd.s32 s29, s14;
	s13 =	simm.s32 @!p0 $0x2600  }
0x10: {  	s11 =	sshll.u32 s11, $0xC;
	s23 =	sshll.u32 s6, $0x8;
	s13 =	sadd.s32 s13, s12  }
0x11: {  	s22 =	ssub.s32 s6, s9;
	s9 =	sadd.s32 s23, s13;
	s13 =	sadd.s32 s25, s26  }
0x12: {  	s10 =	simm.s32 @!p0 $0x1400;
	s11 =	sadd.s32 s11, s30;
	s13 =	smin.u32 s13, $0x4BA  }
0x13: {  	s6 =	smax.u32 s7, $0x1;
	s31 =	sshrl.u32 s11, $0x4;
	s13 =	sshll.u32 s13, $0x9  }
0x14: {  	s24 =	sshll.u32 s22, $0x9;
	s5 =	sadd.s32 $0x4E20, s5;
	s13 =	ssub.s32 s14, s13  }
0x15: {  	s7 =	sshra.s32 s24, $0x2;
	s12 =	sadd.s32 s31, s12;
	s13 =	sadd.s32 $0x200, s13  }
0x16: {  	s14 =	simm.s32 $0x80;
	s11 =	sshra.s32 s13, $0x2;
	s13 =	simm.s32 $0x3  }
.LBB2_1:
0x17: {  	[tilespmem:s2], [sflag:$0x3] =	stream.linear.gather [hbm4b:s5+s2], $0x1400, $0x38;
	[tilespmem:$0x2400] =	vst v63  }
0x18: {  	p2 =	sne.s32 s4, $0x2  }
.Ltmp0:
0x19: {  	_ = 	snop;
	(pc) =	sbr.rel @!p2 .LBB2_2-.Ltmp0, $4  }
0x1a: {  	s17 =	simm.s32 $0x1;
	_ =	swait.ge [sflag:s13], $0x1400  }
0x1b: {  	p1 =	por $0x0, $0x0;
	s18 =	sand.u32 $0x1, s17;
	[sflag:s13] =	ssyncset.done $0x0  }
0x1c: {  	s17 =	simm.s32 $0x2;
	p0 =	seq.s32 s18, $0x0;
	[sflag:s13] =	ssyncadd.s32 $0xFFFFEC00  }
0x1d: {  	[tilespmem:s15], [sflag:$0x1] =	stream.indirect.gather [hbm4b:s3+s14], $0x10, s7, s14, $0xb8;
	[tilespmem:$0x2400] =	vst v63  }
0x1e: {  	s18 =	simm.s32 @p0 $0x80;
	s19 =	simm.s32 @p0 $0x1400  }
0x1f: {  	[tilespmem:s19], [sflag:$0x1] =	stream.indirect.gather @p0 [hbm4b:s3+s18], $0x10, s11, s18, $0xb8;
	[tilespmem:$0x2400] =	vst v63  }
0x20: {  	s20 =	simm.s32 @p0 $0x2;
	s18 =	simm.s32 @!p0 $0x80;
	s19 =	simm.s32 @!p0 $0x1C00  }
0x21: {  	[tilespmem:s19], [sflag:$0x2] =	stream.indirect.gather @!p0 [hbm4b:s3+s18], $0x10, s11, s18, $0xb8;
	[tilespmem:$0x2400] =	vst v63  }
0x22: {  	s21 =	simm.s32 @!p0 $0x1400;
	_ =	swait.ge @p0 [sflag:s20], $0x800  }
0x23: {  	p2 =	sne.s32 s4, $0x3;
	s19 =	simm.s32 @!p0 $0x1;
	[sflag:s20] =	ssyncset.done @p0 $0x0  }
0x24: {  	s18 =	simm.s32 @p0 $0x0;
	[sflag:s20] =	ssyncadd.s32 @p0 $0xFFFFF800;
	s20 =	simm.s32 @p0 $0x1C00  }
0x25: {  	[hbm4b:s12+s18] =	stream.linear.scatter @p0 [tilespmem:s20], [sflag:$0x3], $0x800, $0x38;
	[tilespmem:$0x2400] =	vst v63  }
0x26: {  	s31 =	sand.u32 $0x1, s17;
	s17 =	sadd.s32 $0x100, s12;
	_ =	swait.ge @!p0 [sflag:s19], $0x800  }
.Ltmp1:
0x27: {  	s20 =	simm.s32 @!p0 $0x4;
	[sflag:s19] =	ssyncset.done @!p0 $0x0;
	(pc) =	sbr.rel @!p2 .LBB2_5-.Ltmp1, $4  }
0x28: {  	s20 =	simm.s32 @p0 $0x3;
	[sflag:s19] =	ssyncadd.s32 @!p0 $0xFFFFF800;
	s19 =	simm.s32 @!p0 $0x0  }
0x29: {  	[hbm4b:s12+s19] =	stream.linear.scatter @!p0 [tilespmem:s21], [sflag:$0x4], $0x800, $0x38;
	[tilespmem:$0x2400] =	vst v63  }
0x2a: {  	p1 =	por $0x1, $0x1;
	s18 =	simm.s32 $0x3;
	_ =	swait.ge [sflag:s20], $0x800  }
0x2b: {  	p0 =	seq.s32 s31, $0x0;
	s19 =	sadd.s32 $0x80, s11;
	[sflag:s20] =	ssyncset.done $0x0  }
.LBB2_4:
0x2c: {  	s21 =	simm.s32 @p0 $0x80;
	s22 =	simm.s32 @p0 $0x1400;
	[sflag:s20] =	ssyncadd.s32 $0xFFFFF800  }
0x2d: {  	[tilespmem:s22], [sflag:$0x1] =	stream.indirect.gather @p0 [hbm4b:s3+s21], $0x10, s19, s21, $0xb8;
	[tilespmem:$0x2400] =	vst v63  }
0x2e: {  	s20 =	simm.s32 @!p0 $0x80;
	s21 =	simm.s32 @!p0 $0x1C00;
	s22 =	simm.s32 @p0 $0x2  }
0x2f: {  	[tilespmem:s21], [sflag:$0x2] =	stream.indirect.gather @!p0 [hbm4b:s3+s20], $0x10, s19, s20, $0xb8;
	[tilespmem:$0x2400] =	vst v63  }
0x30: {  	s21 =	smov.u32 s18;
	s18 =	sadd.s32 $0x1, s18;
	_ =	swait.ge @p0 [sflag:s22], $0x800  }
0x31: {  	s23 =	simm.s32 @!p0 $0x1;
	p2 =	sne.s32 s4, s18;
	[sflag:s22] =	ssyncset.done @p0 $0x0  }
0x32: {  	s20 =	simm.s32 @p0 $0x0;
	[sflag:s22] =	ssyncadd.s32 @p0 $0xFFFFF800;
	s22 =	simm.s32 @p0 $0x1C00  }
0x33: {  	[hbm4b:s17+s20] =	stream.linear.scatter @p0 [tilespmem:s22], [sflag:$0x3], $0x800, $0x38;
	[tilespmem:$0x2400] =	vst v63  }
0x34: {  	s22 =	simm.s32 @!p0 $0x1400;
	_ =	swait.ge @!p0 [sflag:s23], $0x800  }
.Ltmp2:
0x35: {  	s20 =	simm.s32 @!p0 $0x4;
	[sflag:s23] =	ssyncset.done @!p0 $0x0;
	(pc) =	sbr.rel @p2 .LBB2_4-.Ltmp2, $4  }
0x36: {  	s20 =	simm.s32 @p0 $0x3;
	[sflag:s23] =	ssyncadd.s32 @!p0 $0xFFFFF800;
	s23 =	simm.s32 @!p0 $0x0  }
0x37: {  	[hbm4b:s17+s23] =	stream.linear.scatter @!p0 [tilespmem:s22], [sflag:$0x4], $0x800, $0x38;
	[tilespmem:$0x2400] =	vst v63  }
0x38: {  	s21 =	sand.u32 $0x1, s21;
	s17 =	sadd.s32 $0x100, s17;
	_ =	swait.ge [sflag:s20], $0x800  }
0x39: {  	s19 =	sadd.s32 $0x80, s19;
	p0 =	seq.s32 s21, $0x0;
	[sflag:s20] =	ssyncset.done $0x0  }
.LBB2_5:
0x3a: {  	s18 =	simm.s32 @p0 $0x80;
	s21 =	simm.s32 @p0 $0x1400;
	[sflag:s20] =	ssyncadd.s32 @p1 $0xFFFFF800  }
0x3b: {  	[tilespmem:s21], [sflag:$0x1] =	stream.indirect.gather @p0 [hbm4b:s3+s18], $0x10, s19, s18, $0xb8;
	[tilespmem:$0x2400] =	vst v63  }
0x3c: {  	s20 =	simm.s32 @!p0 $0x1C00;
	s18 =	simm.s32 @!p0 $0x80;
	s21 =	simm.s32 @p0 $0x2  }
0x3d: {  	[tilespmem:s20], [sflag:$0x2] =	stream.indirect.gather @!p0 [hbm4b:s3+s18], $0x10, s19, s18, $0xb8;
	[tilespmem:$0x2400] =	vst v63  }
0x3e: {  	_ =	swait.ge @p0 [sflag:s21], $0x800  }
0x3f: {  	s18 =	simm.s32 @!p0 $0x1;
	[sflag:s21] =	ssyncset.done @p0 $0x0  }
0x40: {  	s19 =	simm.s32 @p0 $0x0;
	s20 =	simm.s32 @p0 $0x1C00;
	[sflag:s21] =	ssyncadd.s32 @p0 $0xFFFFF800  }
0x41: {  	[hbm4b:s17+s19] =	stream.linear.scatter @p0 [tilespmem:s20], [sflag:$0x3], $0x800, $0x38;
	[tilespmem:$0x2400] =	vst v63  }
0x42: {  	_ =	swait.ge @!p0 [sflag:s18], $0x800  }
0x43: {  	s19 =	simm.s32 @!p0 $0x1400;
	s20 =	simm.s32 @!p0 $0x4;
	[sflag:s18] =	ssyncset.done @!p0 $0x0  }
0x44: {  	s20 =	simm.s32 @p0 $0x3;
	[sflag:s18] =	ssyncadd.s32 @!p0 $0xFFFFF800;
	s18 =	simm.s32 @!p0 $0x0  }
0x45: {  	[hbm4b:s17+s18] =	stream.linear.scatter @!p0 [tilespmem:s19], [sflag:$0x4], $0x800, $0x38;
	[tilespmem:$0x2400] =	vst v63  }
0x46: {  	_ =	swait.ge [sflag:s20], $0x800  }
0x47: {  	[sflag:s20] =	ssyncset.done $0x0  }
0x48: {  	[sflag:s20] =	ssyncadd.s32 $0xFFFFF800  }
0x49: {  	_ =	swait.ge [sflag:s8], $0x800  }
0x4a: {  	s16 =	sadd.s32 $0x1, s16;
	[sflag:s8] =	ssyncset.done $0x0  }
0x4b: {  	p0 =	sne.s32 s16, s6;
	[sflag:s8] =	ssyncadd.s32 $0xFFFFF800  }
0x4c: {  	[hbm4b:s9+s2] =	stream.linear.scatter [tilespmem:s10], [sflag:$0x3], $0x800, $0x38;
	[tilespmem:$0x2400] =	vst v63  }
.Ltmp3:
0x4d: {  	_ = 	snop;
	(pc) =	sbr.rel @p0 .LBB2_1-.Ltmp3, $4  }
.Ltmp4:
0x4e: {  	_ = 	snop;
	(pc) =	sbr.rel @!p0 .LBB2_6-.Ltmp4, $4  }
0x4f: {  	_ =	swait.ge [sflag:s13], $0x800  }
0x50: {  	[sflag:s13] =	ssyncset.done $0x0  }
0x51: {  	[sflag:s13] =	ssyncadd.s32 $0xFFFFF800  }
0x52: {  	_ = 	snop  }
.LBB2_2:
.Ltmp5:
0x53: {  	(pc) =	sbr.rel .LBB2_5-.Ltmp5, $2  }
0x54: {  	_ =	sdelay $0x2  }
0x55: {  	s19 =	smov.u32 s11;
	s17 =	smov.u32 s12  }
.LBB2_6:
0x56: {  	_ =	sfence.sel $0x180000  }
0x57: {  	[bflag:$0x0] =	sbarrier.arrive $0xFFFF  }
0x58: {  	p0 =	sne.s32 s0, $0x0;
	_ =	strace $0x90000047  }
0x59: {  	s0 =	sadd.s32 @!p0 $0x100000, s1;
	[bflag:$0x2] =	sbarrier.arrive $0xFFFF  }
0x5a: {  	[sflag:s0] =	ssyncadd.tile.s32 @!p0 $0x1;
	_ =	shalt  }
.Lfunc_end2:
_tile_overlayer_lowered:
.L_overlay_start_2:
0x5b: {  	(tag) =	ssettag $0x2  }
0x5c: {  	s0 =	rddreg [dreg:$0x0];
	s2 =	stileid.u32  }
0x5d: {  	s1 =	rddreg [dreg:$0x1];
	p0 =	sne.s32 s2, $0x0  }
0x5e: {  	s3 =	rddreg [dreg:$0x2];
	[bflag:$0x3] =	sbarrier.arrive $0xFFFF;
	s2 =	simm.s32 @!p0 $0x1C03  }
0x5f: {  	[timem:s3], [sflag:s2] =	dma.local @!p0 [hbm:s0], s1  }
0x60: {  	s0 =	simm.s32 @!p0 $0x3  }
0x61: {  	_ =	swait.ge @!p0 [sflag:s0], s1  }
0x62: {  	s1 =	ssub.s32 @!p0 $0x0, s1;
	[sflag:s0] =	ssyncset.done @!p0 $0x0  }
0x63: {  	[sflag:s0] =	ssyncadd.s32 @!p0 s1  }
0x64: {  	[bflag:$0x3] =	sbarrier.arrive $0xFFFF  }
0x65: {  	_ =	shalt  }

// kernel: kernel.9.cloned.1.call-start
scs
__scs_entry_jumppad:
0x0: {  	(pc) =	sbr.rel $0x88, $3  }
0x1: {  	(tag) =	ssettag $0x0;
	lr =	simm.s32 $0x1  }
0x2: {  	[smem:$0x3F9C] =	sst lr;
	_ =	strace $0xD0000000  }
0x3: {  	_ = 	snop  }
0x4: {  	_ = 	snop  }
0x5: {  	_ = 	snop  }
0x6: {  	_ = 	snop  }
0x7: {  	_ = 	snop  }
__scs_overlays_trampoline_lowered:
0x8: {  	[smem:$0x3FAB] =	sst s0  }
0x9: {  	[smem:$0x3FAC] =	sst s1  }
0xa: {  	[smem:$0x3FAD] =	sst s2  }
0xb: {  	[smem:$0x3FAE] =	sst s3  }
0xc: {  	[smem:$0x3FAF] =	sst s4  }
0xd: {  	[smem:$0x3FB0] =	sst s5  }
0xe: {  	[smem:$0x3FB1] =	sst s6  }
0xf: {  	[smem:$0x3FB2] =	sst s7  }
0x10: {  	[smem:$0x3FB3] =	sst s8  }
0x11: {  	[smem:$0x3FB4] =	sst s9;
	s0 =	simm.s32 @!p0 $0x0  }
0x12: {  	s1 =	sld [smem:$0x3F9A];
	s0 =	simm.s32 @p0 $0x1  }
0x13: {  	[smem:$0x3FB5] =	sst s0;
	s0 =	simm.s32 @!p1 $0x0  }
0x14: {  	s2 =	sld [smem:$0x3F99];
	s0 =	simm.s32 @p1 $0x1  }
0x15: {  	[smem:$0x3FB6] =	sst s0;
	s0 =	simm.s32 @!p2 $0x0  }
0x16: {  	s3 =	sld [smem:$0x3FDB];
	s0 =	simm.s32 @p2 $0x1  }
0x17: {  	s4 =	simm.s32 $0x1BF5;
	[smem:$0x3FB8] =	sst s0  }
0x18: {  	s0 =	sld [smem:$0x3F9B];
	_ =	swait.ge [sflag:s4], $0x0  }
0x19: {  	s7 =	sld [smem:$0x3F9C]  }
0x1a: {  	s8 =	sadd.s32 $0xFFFFE003, lr  }
0x1b: {  	s9 =	sadd.s32 $0xFFFFFEF7, lr;
	s5 =	simm.s32 $0xFFFFFFFF;
	p2 =	slt.u32 s8, $0xFFFFF086  }
0x1c: {  	p1 =	slt.u32 s9, $0xF7A;
	s5 =	simm.s32 @!p2 $0x0  }
0x1d: {  	s5 =	simm.s32 @p1 $0x1;
	p0 =	seq.s32 s7, s2  }
0x1e: {  	s7 =	smul.u32 @!p0 $0xF7A, s2;
	p2 =	seq.s32 @!p0 s5, $0x0  }
0x1f: {  	s9 =	smul.u32 $0xF7A, s1;
	s8 =	simm.s32 @!p0 $0x1BF5;
	p2 =	por !p2, p0  }
0x20: {  	[sflag:s8] =	ssyncset.s32 @!p0 $0xFFFFF086;
	s6 =	sadd.s32 @!p0 s3, s7;
	s7 =	simm.s32 @!p0 $0x108  }
0x21: {  	s3 =	sadd.s32 s3, s9;
	s6 =	sadd.s32 @!p0 $0x88, s6;
	s7 =	simm.s32 @p2 $0x1082  }
0x22: {  	[simem:s7], [sflag:s8] =	dma.local @!p0 [hbm:s6], $0xF7A  }
0x23: {  	s9 =	sor.u32 $0xD0000000, s2;
	s6 =	simm.s32 $0x108;
	_ =	swait.ge @!p0 [sflag:s8], $0x0  }
0x24: {  	s3 =	sadd.s32 $0x88, s3;
	s6 =	simm.s32 @!p1 $0x1082;
	[sflag:s4] =	ssyncset.s32 $0xFFFFF086  }
0x25: {  	[simem:s6], [sflag:s4] =	dma.local [hbm:s3], $0xF7A  }
0x26: {  	[smem:$0x3F9C] =	sst s1;
	(tag) =	ssettag s2;
	_ =	strace s9  }
0x27: {  	s1 =	sld [smem:$0x3FAC]  }
0x28: {  	s2 =	sld [smem:$0x3FAD]  }
0x29: {  	s4 =	sld [smem:$0x3FAF]  }
0x2a: {  	p0 =	seq.s32 s5, $0x0;
	s5 =	sld [smem:$0x3FB0]  }
0x2b: {  	s6 =	sld [smem:$0x3FB1]  }
0x2c: {  	s7 =	sld [smem:$0x3FB2]  }
0x2d: {  	s3 =	simm.s32 $0x108;
	s8 =	sld [smem:$0x3FB3]  }
0x2e: {  	s3 =	simm.s32 @!p0 $0x1082;
	s9 =	sld [smem:$0x3FB4]  }
0x2f: {  	lr =	sadd.s32 s0, s3;
	s0 =	sld [smem:$0x3FAB]  }
0x30: {  	s3 =	sld [smem:$0x3FAE]  }
0x31: {  	[smem:$0x3FB7] =	sst s10  }
0x32: {  	s10 =	sld [smem:$0x3FB5];
	_ =	sdelay $0x3  }
0x33: {  	p0 =	seq.s32 s10, $0x1;
	s10 =	sld [smem:$0x3FB7];
	_ =	sdelay $0x3  }
0x34: {  	[smem:$0x3FB7] =	sst s10  }
0x35: {  	s10 =	sld [smem:$0x3FB6];
	_ =	sdelay $0x3  }
0x36: {  	p1 =	seq.s32 s10, $0x1;
	s10 =	sld [smem:$0x3FB7];
	_ =	sdelay $0x3  }
0x37: {  	[smem:$0x3FB7] =	sst s10  }
0x38: {  	s10 =	sld [smem:$0x3FB8]  }
0x39: {  	_ = 	snop;
	(pc) =	sbr.ind lr, $3  }
0x3a: {  	_ = 	snop  }
0x3b: {  	_ = 	snop  }
0x3c: {  	p2 =	seq.s32 s10, $0x1;
	s10 =	sld [smem:$0x3FB7]  }
0x3d: {  	_ =	shalt  }
0x3e: {  	_ =	shalt  }
0x3f: {  	_ =	shalt  }
0x40: {  	_ =	shalt  }
0x41: {  	_ =	shalt  }
0x42: {  	_ =	shalt  }
0x43: {  	_ =	shalt  }
0x44: {  	_ =	shalt  }
0x45: {  	_ =	shalt  }
0x46: {  	_ =	shalt  }
0x47: {  	_ =	shalt  }
0x48: {  	_ =	shalt  }
0x49: {  	_ =	shalt  }
0x4a: {  	_ =	shalt  }
0x4b: {  	_ =	shalt  }
0x4c: {  	_ =	shalt  }
0x4d: {  	_ =	shalt  }
0x4e: {  	_ =	shalt  }
0x4f: {  	_ =	shalt  }
0x50: {  	_ =	shalt  }
0x51: {  	_ =	shalt  }
0x52: {  	_ =	shalt  }
0x53: {  	_ =	shalt  }
0x54: {  	_ =	shalt  }
0x55: {  	_ =	shalt  }
0x56: {  	_ =	shalt  }
0x57: {  	_ =	shalt  }
0x58: {  	_ =	shalt  }
0x59: {  	_ =	shalt  }
0x5a: {  	_ =	shalt  }
0x5b: {  	_ =	shalt  }
0x5c: {  	_ =	shalt  }
0x5d: {  	_ =	shalt  }
0x5e: {  	_ =	shalt  }
0x5f: {  	_ =	shalt  }
0x60: {  	_ =	shalt  }
0x61: {  	_ =	shalt  }
0x62: {  	_ =	shalt  }
0x63: {  	_ =	shalt  }
0x64: {  	_ =	shalt  }
0x65: {  	_ =	shalt  }
0x66: {  	_ =	shalt  }
0x67: {  	_ =	shalt  }
0x68: {  	_ =	shalt  }
0x69: {  	_ =	shalt  }
0x6a: {  	_ =	shalt  }
0x6b: {  	_ =	shalt  }
0x6c: {  	_ =	shalt  }
0x6d: {  	_ =	shalt  }
0x6e: {  	_ =	shalt  }
0x6f: {  	_ =	shalt  }
0x70: {  	_ =	shalt  }
0x71: {  	_ =	shalt  }
0x72: {  	_ =	shalt  }
0x73: {  	_ =	shalt  }
0x74: {  	_ =	shalt  }
0x75: {  	_ =	shalt  }
0x76: {  	_ =	shalt  }
0x77: {  	_ =	shalt  }
0x78: {  	_ =	shalt  }
0x79: {  	_ =	shalt  }
0x7a: {  	_ =	shalt  }
0x7b: {  	_ =	shalt  }
0x7c: {  	_ =	shalt  }
0x7d: {  	_ =	shalt  }
0x7e: {  	_ =	shalt  }
0x7f: {  	_ =	shalt  }
0x80: {  	_ =	shalt  }
0x81: {  	_ =	shalt  }
0x82: {  	_ =	shalt  }
0x83: {  	_ =	shalt  }
0x84: {  	_ =	shalt  }
0x85: {  	_ =	shalt  }
0x86: {  	_ =	shalt  }
0x87: {  	_ =	shalt  }
.Lfunc_end0:
.L_simem_size_0:
called_computation.1_lowered:
.L_overlay_start_0:
0x88: {  	s0 =	sld [smem:$0x3FD9]  }
0x89: {  	s1 =	sld [smem:$0x3FFE];
	_ =	sdelay $0x3  }
0x8a: {  	s0 =	sadd.s32 s1, s0  }
0x8b: {  	[smem:$0x3FC3] =	sst s0  }
0x8c: {  	_ = 	snop  }
0x8d: {  	s0 =	sld [smem:$0x3FD0];
	(tm) =	ssettm $0x1  }
0x8e: {  	s16 =	sld [smem:$0x3FFB];
	_ =	sdelay $0x3  }
0x8f: {  	_ =	strace s16  }
0x90: {  	s1 =	sld [smem:$0x3FFC];
	_ =	sdelay $0x3  }
0x91: {  	_ =	strace s1  }
0x92: {  	s1 =	sld [smem:$0x3FFD];
	_ =	sdelay $0x3  }
0x93: {  	_ =	strace s1  }
0x94: {  	_ =	strace $0x8FFFFFFF  }
0x95: {  	s17 =	sld [smem:$0x3FDB];
	_ =	sdelay $0x1  }
0x96: {  	s2 =	simm.s32 $_scs_section_size  }
0x97: {  	s3 =	simm.s32 $_size__tile_overlayer_lowered;
	s4 =	simm.s32 $_tile_overlayer_lowered  }
0x98: {  	s20 =	simm.s32 $0x1BFF;
	s19 =	sshll.u32 s4, $0x1;
	s1 =	sadd.s32 s2, s17  }
0x99: {  	s5 =	simm.s32 $0x0;
	s18 =	sshll.u32 s3, $0x1;
	s3 =	sadd.s32 s19, s1  }
0x9a: {  	[timem:s5], [sflag:s20] =	dma.local [hbm:s3], s18  }
0x9b: {  	_ =	swait.ge [sflag:s20], s18  }
0x9c: {  	s2 =	ssub.s32 $0x0, s18;
	[sflag:s20] =	ssyncset.done $0x0  }
0x9d: {  	[sflag:s20] =	ssyncadd.s32 s2;
	_ =	sdelay $0x1  }
0x9e: {  	s21 =	simm.s32 $0x1B8B  }
0x9f: {  	_ =	swait.ge [sflag:s21], $0x1  }
0xa0: {  	[sflag:s21] =	ssyncset.done $0x0  }
0xa1: {  	s23 =	simm.s32 $0x1B8E;
	s22 =	sld [smem:$0x3FFE];
	[sflag:s21] =	ssyncadd.s32 $0xFFFFFFFF  }
0xa2: {  	s24 =	simm.s32 $execute0_lowered;
	[smem:$0x3FD2] =	sst s23  }
0xa3: {  	s3 =	sshll.u32 s24, $0x1;
	_ =	strace $0x80000049;
	[dreg:$0x1] =	wrdreg $0xFFFFFFFF  }
0xa4: {  	s25 =	simm.s32 $_size_execute0_lowered;
	s1 =	sadd.s32 s1, s3;
	[dreg:$0x0] =	wrdreg $0x0  }
0xa5: {  	s3 =	sshll.u32 s25, $0x1;
	[dreg:$0x2] =	wrdreg s1  }
0xa6: {  	[dreg:$0x3] =	wrdreg s3  }
0xa7: {  	[dreg:$0x4] =	wrdreg $0xC0  }
0xa8: {  	_ =	task [dreg:s5], $0x5FFFF  }
0xa9: {  	[dreg:$0x1] =	wrdreg $0xFFFFFFFF  }
0xaa: {  	[dreg:$0x0] =	wrdreg $0x60  }
0xab: {  	[dreg:$0x2] =	wrdreg s22  }
0xac: {  	[dreg:$0x3] =	wrdreg s0  }
0xad: {  	[dreg:$0x4] =	wrdreg $0x37800  }
0xae: {  	[dreg:$0x5] =	wrdreg $0x9  }
0xaf: {  	_ =	task.clear_ibuf [dreg:s5], $0x6FFFF;
	_ =	strace $0x90000049  }
0xb0: {  	s26 =	simm.s32 $0x9;
	_ =	strace $0x8000004B  }
0xb1: {  	_ =	swait.ge [sflag:s26], $0x1  }
0xb2: {  	[sflag:s26] =	ssyncadd.s32 $0xFFFFFFFF  }
0xb3: {  	_ =	strace $0x9000004B  }
0xb4: {  	_ =	sfence  }
0xb5: {  	s28 =	sld [smem:$0x0];
	_ =	sdelay $0x1  }
0xb6: {  	s29 =	srdreg.scid  }
0xb7: {  	s30 =	sshll.u32 s29, $0xD;
	s31 =	sshrl.u32 s29, $0x2  }
0xb8: {  	s2 =	sand.u32 $0x4000, s30;
	s1 =	sand.u32 $0x1, s29;
	s0 =	sadd.s32 s31, s28  }
0xb9: {  	s1 =	sor.u32 s2, s1;
	s0 =	sshll.u32 s0, $0x11  }
0xba: {  	s0 =	sor.u32 s0, s1  }
0xbb: {  	s0 =	sadd.s32 $0x8F2B, s0  }
0xbc: {  	[sflag:s0] =	ssyncadd.remote.s32 $0x1  }
0xbd: {  	_ =	sfence.sel $0xFFFF  }
0xbe: {  	[dreg:$0x0] =	wrdreg $0xFFFFFFFF;
	(pc) =	sbr.abs _section_cstart, $3  }
0xbf: {  	[dreg:$0x1] =	wrdreg $0xFFFFFFFF  }
0xc0: {  	_ =	task.clear_ibuf [dreg:s5], $0x2FFFF;
	_ =	strace $0x9FFFFFFF  }
0xc1: {  	(tm) =	ssettm $0x7FFFFFFF  }
tec
execute0_lowered:
.L_overlay_start_1:
0x0: {  	(tag) =	ssettag $0x1  }
0x1: {  	s7 =	rddreg [dreg:$0x0]  }
0x2: {  	s8 =	rddreg [dreg:$0x1]  }
0x3: {  	s2 =	rddreg [dreg:$0x2];
	s1 =	stileid.u32  }
0x4: {  	s0 =	rddreg [dreg:$0x3];
	s9 =	simm.s32 $0x0;
	s4 =	smul.u32 $0x4E20, s1  }
0x5: {  	p2 =	por $0x0, $0x0;
	[smem:$0x7FF] =	sst s9;
	s24 =	smul.u32 $0x4E, s1  }
0x6: {  	s6 =	sshll.u32 s1, $0x6;
	s13 =	smin.u32 s1, $0x2;
	_ =	strace $0x8000004A  }
0x7: {  	s3 =	sshrl.u32 s4, $0x4;
	s4 =	sshrl.u32 s4, $0x1;
	s25 =	sadd.s32 s13, s24  }
0x8: {  	s5 =	sadd.s32 s3, s7;
	s10 =	sadd.s32 s4, s2;
	s4 =	sor.u32 $0x1C03, s6  }
0x9: {  	s6 =	simm.s32 $0x3;
	s11 =	sadd.s32 $0x54C00, s5;
	s5 =	sshrl.u32 s10, $0x3  }
0xa: {  	[spmem:s5], [sflag:s4] =	dma.local [hbm:s11], $0x4E2  }
0xb: {  	s14 =	sadd.s32 $0x1A00, s7;
	s26 =	smin.u32 s25, $0x493;
	_ =	swait.ge [sflag:s6], $0x4E2  }
0xc: {  	p0 =	slt.u32 s1, $0x2;
	s12 =	sshll.u32 s26, $0x4;
	[sflag:s6] =	ssyncset.done $0x0  }
0xd: {  	s30 =	smul.u32 $0x9C00, s1;
	s8 =	sadd.s32 s8, s12;
	[sflag:s6] =	ssyncadd.s32 $0xFFFFFB1E  }
0xe: {  	[tilespmem:s9], [sflag:$0x3] =	stream.linear.gather [hbm4b:s8+s9], $0x2780, $0x38;
	[tilespmem:$0x5E90] =	vst v63  }
0xf: {  	s16 =	smul.u32 $0x4E00, s1;
	s15 =	sshll.u32 s13, $0x9;
	_ =	swait.ge [sflag:s6], $0x2780  }
0x10: {  	s28 =	sshll.u32 s25, $0x8;
	s12 =	simm.s32 $0x4F;
	[sflag:s6] =	ssyncset.done $0x0  }
0x11: {  	s29 =	sadd.s32 s14, s28;
	s12 =	simm.s32 @!p0 $0x4E;
	[sflag:s6] =	ssyncadd.s32 $0xFFFFD880  }
0x12: {  	p3 =	sne.s32 s12, $0x2;
	s8 =	simm.s32 $0x2780;
	[bflag:$0x0] =	sbarrier.arrive $0xFFFF  }
0x13: {  	[tilespmem:s8], [sflag:$0x1] =	stream.linear.gather [hbm4b:s29+s9], $0x800, $0x38;
	[tilespmem:$0x5E90] =	vst v63  }
.Ltmp0:
0x14: {  	s11 =	sshll.u32 s26, $0x9;
	s9 =	sadd.s32 s15, s30;
	(pc) =	sbr.rel @!p3 .LBB2_1-.Ltmp0, $4  }
0x15: {  	s13 =	sshll.u32 s13, $0x8;
	s7 =	sadd.s32 $0x4FC00, s7;
	s9 =	ssub.s32 s9, s11  }
0x16: {  	s14 =	sadd.s32 s16, s14;
	s11 =	sshra.s32 s9, $0x2;
	s9 =	simm.s32 $0x1  }
0x17: {  	s10 =	ssub.s32 s25, s26;
	s13 =	sadd.s32 s13, s14;
	s31 =	sand.u32 $0x1, s9  }
0x18: {  	s14 =	sadd.s32 $0x100, s13;
	s15 =	simm.s32 $0x2;
	p1 =	seq.s32 s31, $0x0  }
0x19: {  	s13 =	simm.s32 @p1 $0x0;
	s16 =	simm.s32 @p1 $0x2780;
	s17 =	simm.s32 @p1 $0x2  }
0x1a: {  	[tilespmem:s16], [sflag:$0x1] =	stream.linear.gather @p1 [hbm4b:s14+s13], $0x800, $0x38;
	[tilespmem:$0x5E90] =	vst v63  }
0x1b: {  	s31 =	sand.u32 $0x1, s15;
	s18 =	simm.s32 @!p1 $0x2780;
	_ =	swait.ge @p1 [sflag:s17], $0x800  }
0x1c: {  	s15 =	simm.s32 @!p1 $0x4;
	p3 =	sne.s32 s12, $0x3;
	[sflag:s17] =	ssyncset.done @p1 $0x0  }
0x1d: {  	s13 =	simm.s32 @p1 $0x80;
	s16 =	simm.s32 @p1 $0x2F80;
	[sflag:s17] =	ssyncadd.s32 @p1 $0xFFFFF800  }
0x1e: {  	[spmem:s2] =	stream.indirect.scatter.add.bf16 @p1 [tilespmem:s16], [sflag:$0x3], $0x10, s11, s13, $0xb8;
	[tilespmem:$0x5E90] =	vst v63  }
0x1f: {  	s17 =	simm.s32 @!p1 $0x1;
	s13 =	simm.s32 @!p1 $0x0;
	s16 =	simm.s32 @!p1 $0x2F80  }
0x20: {  	[tilespmem:s16], [sflag:$0x2] =	stream.linear.gather @!p1 [hbm4b:s14+s13], $0x800, $0x38;
	[tilespmem:$0x5E90] =	vst v63  }
.Ltmp1:
0x21: {  	p2 =	por $0x1, $0x1;
	_ =	swait.ge @!p1 [sflag:s17], $0x800;
	(pc) =	sbr.rel @!p3 .LBB2_4-.Ltmp1, $4  }
0x22: {  	s15 =	simm.s32 @p1 $0x3;
	s13 =	simm.s32 $0x3;
	[sflag:s17] =	ssyncset.done @!p1 $0x0  }
0x23: {  	s14 =	sadd.s32 $0x100, s14;
	[sflag:s17] =	ssyncadd.s32 @!p1 $0xFFFFF800;
	s17 =	simm.s32 @!p1 $0x80  }
0x24: {  	[spmem:s2] =	stream.indirect.scatter.add.bf16 @!p1 [tilespmem:s18], [sflag:$0x4], $0x10, s11, s17, $0xb8;
	[tilespmem:$0x5E90] =	vst v63  }
0x25: {  	p1 =	seq.s32 s31, $0x0;
	s11 =	sadd.s32 $0x80, s11;
	_ =	swait.ge [sflag:s15], $0x800  }
.LBB2_3:
0x26: {  	s16 =	simm.s32 @p1 $0x0;
	s17 =	simm.s32 @p1 $0x2780  }
0x27: {  	[sflag:s15] =	ssyncset.done $0x0;
	s18 =	smov.u32 s13;
	s19 =	smov.u32 s14  }
0x28: {  	s13 =	sadd.s32 $0x1, s13;
	s20 =	simm.s32 @p1 $0x2;
	[sflag:s15] =	ssyncadd.s32 $0xFFFFF800  }
0x29: {  	[tilespmem:s17], [sflag:$0x1] =	stream.linear.gather @p1 [hbm4b:s14+s16], $0x800, $0x38;
	[tilespmem:$0x5E90] =	vst v63  }
0x2a: {  	p3 =	sne.s32 s12, s13;
	_ =	swait.ge @p1 [sflag:s20], $0x800  }
0x2b: {  	s14 =	sadd.s32 $0x100, s14;
	[sflag:s20] =	ssyncset.done @p1 $0x0  }
0x2c: {  	s15 =	simm.s32 @p1 $0x80;
	s16 =	simm.s32 @p1 $0x2F80;
	[sflag:s20] =	ssyncadd.s32 @p1 $0xFFFFF800  }
0x2d: {  	[spmem:s2] =	stream.indirect.scatter.add.bf16 @p1 [tilespmem:s16], [sflag:$0x3], $0x10, s11, s15, $0xb8;
	[tilespmem:$0x5E90] =	vst v63  }
0x2e: {  	s17 =	simm.s32 @!p1 $0x1;
	s15 =	simm.s32 @!p1 $0x0;
	s16 =	simm.s32 @!p1 $0x2F80  }
0x2f: {  	[tilespmem:s16], [sflag:$0x2] =	stream.linear.gather @!p1 [hbm4b:s19+s15], $0x800, $0x38;
	[tilespmem:$0x5E90] =	vst v63  }
.Ltmp2:
0x30: {  	s16 =	sand.u32 $0x1, s18;
	_ =	swait.ge @!p1 [sflag:s17], $0x800;
	(pc) =	sbr.rel @p3 .LBB2_3-.Ltmp2, $4  }
0x31: {  	s18 =	simm.s32 @!p1 $0x2780;
	s15 =	simm.s32 @!p1 $0x4;
	[sflag:s17] =	ssyncset.done @!p1 $0x0  }
0x32: {  	s15 =	simm.s32 @p1 $0x3;
	[sflag:s17] =	ssyncadd.s32 @!p1 $0xFFFFF800;
	s17 =	simm.s32 @!p1 $0x80  }
0x33: {  	[spmem:s2] =	stream.indirect.scatter.add.bf16 @!p1 [tilespmem:s18], [sflag:$0x4], $0x10, s11, s17, $0xb8;
	[tilespmem:$0x5E90] =	vst v63  }
0x34: {  	p1 =	seq.s32 s16, $0x0;
	s11 =	sadd.s32 $0x80, s11;
	_ =	swait.ge [sflag:s15], $0x800  }
.LBB2_4:
0x35: {  	s12 =	simm.s32 @p1 $0x0;
	[sflag:s15] =	ssyncset.done @p2 $0x0  }
0x36: {  	s13 =	simm.s32 @p1 $0x2780;
	s16 =	simm.s32 @p1 $0x2;
	[sflag:s15] =	ssyncadd.s32 @p2 $0xFFFFF800  }
0x37: {  	[tilespmem:s13], [sflag:$0x1] =	stream.linear.gather @p1 [hbm4b:s14+s12], $0x800, $0x38;
	[tilespmem:$0x5E90] =	vst v63  }
0x38: {  	_ =	swait.ge @p1 [sflag:s16], $0x800  }
0x39: {  	[sflag:s16] =	ssyncset.done @p1 $0x0  }
0x3a: {  	s12 =	simm.s32 @p1 $0x80;
	s13 =	simm.s32 @p1 $0x2F80;
	[sflag:s16] =	ssyncadd.s32 @p1 $0xFFFFF800  }
0x3b: {  	[spmem:s2] =	stream.indirect.scatter.add.bf16 @p1 [tilespmem:s13], [sflag:$0x3], $0x10, s11, s12, $0xb8;
	[tilespmem:$0x5E90] =	vst v63  }
0x3c: {  	s15 =	simm.s32 @!p1 $0x1;
	s12 =	simm.s32 @!p1 $0x0;
	s13 =	simm.s32 @!p1 $0x2F80  }
0x3d: {  	[tilespmem:s13], [sflag:$0x2] =	stream.linear.gather @!p1 [hbm4b:s14+s12], $0x800, $0x38;
	[tilespmem:$0x5E90] =	vst v63  }
0x3e: {  	_ =	swait.ge @!p1 [sflag:s15], $0x800  }
0x3f: {  	s12 =	simm.s32 @!p1 $0x2780;
	s13 =	simm.s32 @!p1 $0x4;
	[sflag:s15] =	ssyncset.done @!p1 $0x0  }
0x40: {  	s14 =	simm.s32 @!p1 $0x80;
	s13 =	simm.s32 @p1 $0x3;
	[sflag:s15] =	ssyncadd.s32 @!p1 $0xFFFFF800  }
0x41: {  	[spmem:s2] =	stream.indirect.scatter.add.bf16 @!p1 [tilespmem:s12], [sflag:$0x4], $0x10, s11, s14, $0xb8;
	[tilespmem:$0x5E90] =	vst v63  }
0x42: {  	_ =	swait.ge [sflag:s13], $0x800  }
0x43: {  	[sflag:s13] =	ssyncset.done $0x0  }
0x44: {  	s10 =	sshll.u32 s10, $0x9;
	s9 =	simm.s32 @!p0 $0x2;
	[sflag:s13] =	ssyncadd.s32 $0xFFFFF800  }
0x45: {  	s8 =	simm.s32 @!p0 $0x2F80;
	s11 =	simm.s32 $0x2700;
	_ =	swait.ge [sflag:s9], $0x800  }
0x46: {  	s10 =	sshra.s32 s10, $0x2;
	s11 =	simm.s32 @!p0 $0x2680;
	[sflag:s9] =	ssyncset.done $0x0  }
0x47: {  	s30 =	simm.s32 $0x80;
	s10 =	sadd.s32 s11, s10;
	[sflag:s9] =	ssyncadd.s32 $0xFFFFF800  }
0x48: {  	[spmem:s2] =	stream.indirect.scatter.add.bf16 [tilespmem:s8], [sflag:$0x3], $0x10, s10, s30, $0xb8;
	[tilespmem:$0x5E90] =	vst v63  }
0x49: {  	_ =	swait.ge [sflag:s6], $0x800  }
0x4a: {  	[sflag:s6] =	ssyncset.done $0x0  }
0x4b: {  	[sflag:s6] =	ssyncadd.s32 $0xFFFFF800  }
0x4c: {  	s31 =	sadd.s32 s7, s3;
	[bflag:$0x0] =	sbarrier.arrive $0xFFFF  }
0x4d: {  	[hbm:s31], [sflag:s4] =	dma.local [spmem:s5], $0x4E2  }
0x4e: {  	_ =	swait.ge [sflag:s6], $0x4E2  }
0x4f: {  	[sflag:s6] =	ssyncset.done $0x0  }
0x50: {  	[sflag:s6] =	ssyncadd.s32 $0xFFFFFB1E  }
0x51: {  	_ =	sfence.sel $0x180000  }
0x52: {  	[bflag:$0x0] =	sbarrier.arrive $0xFFFF  }
0x53: {  	p0 =	sne.s32 s1, $0x0;
	_ =	strace $0x9000004A  }
0x54: {  	s0 =	sadd.s32 @!p0 $0x100000, s0;
	[bflag:$0x2] =	sbarrier.arrive $0xFFFF  }
0x55: {  	[sflag:s0] =	ssyncadd.tile.s32 @!p0 $0x1;
	_ =	shalt  }
.LBB2_1:
.Ltmp3:
0x56: {  	(pc) =	sbr.rel .LBB2_4-.Ltmp3, $2  }
0x57: {  	_ =	sdelay $0x2  }
0x58: {  	_ = 	snop  }
.Lfunc_end2:
_tile_overlayer_lowered:
.L_overlay_start_2:
0x59: {  	(tag) =	ssettag $0x2  }
0x5a: {  	s0 =	rddreg [dreg:$0x0];
	s2 =	stileid.u32  }
0x5b: {  	s1 =	rddreg [dreg:$0x1];
	p0 =	sne.s32 s2, $0x0  }
0x5c: {  	s3 =	rddreg [dreg:$0x2];
	[bflag:$0x3] =	sbarrier.arrive $0xFFFF;
	s2 =	simm.s32 @!p0 $0x1C03  }
0x5d: {  	[timem:s3], [sflag:s2] =	dma.local @!p0 [hbm:s0], s1  }
0x5e: {  	s0 =	simm.s32 @!p0 $0x3  }
0x5f: {  	_ =	swait.ge @!p0 [sflag:s0], s1  }
0x60: {  	s1 =	ssub.s32 @!p0 $0x0, s1;
	[sflag:s0] =	ssyncset.done @!p0 $0x0  }
0x61: {  	[sflag:s0] =	ssyncadd.s32 @!p0 s1  }
0x62: {  	[bflag:$0x3] =	sbarrier.arrive $0xFFFF  }
0x63: {  	_ =	shalt  }

</sc_bundles>
